<compile_context>
chip_gen: v7x
topology: tpu7x:2x2x1
jax: 0.10.2.dev20260603
libtpu: 0.0.44.dev20260713+nightly
codegen_flags: <defaults>
</compile_context>

<pallas_src>
import functools

import jax
import jax.numpy as jnp
from jax import lax
from jax.experimental import pallas as pl
from jax.experimental.pallas import tpu as pltpu
from jax.experimental.pallas import tpu_sc as plsc

N_NODES = 10000
K_PROP = 10
ALPHA = 0.1
F = 16
N_SUB = 16
N_CORE = 2
N_PAD = 10112
NPT = N_PAD // N_SUB
E = 320000
CHUNK = 256
CPT = 40
E_PAD = N_CORE * N_SUB * CPT * CHUNK


def _mlp_body(x_ref, w1_ref, b1_ref, w2_ref, b2_ref, o_ref):
  x = x_ref[...]
  g = lax.dot_general(x, w1_ref[...], (((1,), (1,)), ((), ())),
                      preferred_element_type=jnp.float32)
  g = jnp.maximum(g + b1_ref[...], 0.0)
  h = lax.dot_general(g, w2_ref[...], (((1,), (1,)), ((), ())),
                      preferred_element_type=jnp.float32)
  o_ref[...] = h + b2_ref[...]


def _mlp(x, W1, b1, W2, b2):
  n = x.shape[0]
  blk = 1000
  return pl.pallas_call(
      _mlp_body,
      grid=(n // blk,),
      in_specs=[
          pl.BlockSpec((blk, 128), lambda i: (i, 0)),
          pl.BlockSpec((64, 128), lambda i: (0, 0)),
          pl.BlockSpec((1, 64), lambda i: (0, 0)),
          pl.BlockSpec((16, 64), lambda i: (0, 0)),
          pl.BlockSpec((1, 16), lambda i: (0, 0)),
      ],
      out_specs=pl.BlockSpec((blk, 16), lambda i: (i, 0)),
      out_shape=jax.ShapeDtypeStruct((n, 16), jnp.float32),
  )(x, W1, b1.reshape(1, 64), W2, b2.reshape(1, 16))


def _lsm_body(x_ref, o_ref):
  x = x_ref[...]
  m = jnp.max(x, axis=1, keepdims=True)
  xm = x - m
  lse = jnp.log(jnp.sum(jnp.exp(xm), axis=1, keepdims=True))
  o_ref[...] = xm - lse


def _log_softmax(x):
  n = x.shape[0]
  blk = 1000
  return pl.pallas_call(
      _lsm_body,
      grid=(n // blk,),
      in_specs=[pl.BlockSpec((blk, 16), lambda i: (i, 0))],
      out_specs=pl.BlockSpec((blk, 16), lambda i: (i, 0)),
      out_shape=jax.ShapeDtypeStruct((n, 16), jnp.float32),
  )(x)


def _rsqrt16(d):
  y = jnp.full((F,), 1.0, jnp.float32)
  for k in range(1, 11):
    y = jnp.where(d >= float(4 ** k) * 0.5, float(2.0 ** -k), y)
  for k in range(1, 11):
    y = jnp.where(d <= float(4 ** -k) * 2.0, float(2.0 ** k), y)
  for _ in range(6):
    y = y * (1.5 - 0.5 * d * y * y)
  return y


def _sc_body(rows_hbm, cols_hbm, h_hbm, out_hbm, p_hbm,
             T, S, ab, bb, tb, sb, pb, zb, rows_v, cols_v,
             msga, msgb, gsem, ssem, xsem, xdsem):
  c = lax.axis_index("c")
  w = lax.axis_index("s")
  nbase = w * NPT
  nsl = pl.ds(nbase, NPT)

  def _exchange(par):
    pltpu.sync_copy(S.at[nsl], sb)
    pltpu.make_async_copy(sb, p_hbm.at[par, c, nsl], xdsem).start()
    pltpu.sync_copy(zb, S.at[nsl])
    pltpu.make_async_copy(sb, p_hbm.at[par, c, nsl], xdsem).wait()
    plsc.subcore_barrier()

    @pl.when(w == 0)
    def _():
      pltpu.semaphore_signal(xsem, 1, core_index=1 - c)
      pltpu.semaphore_wait(xsem, 1)
    plsc.subcore_barrier()
    pltpu.sync_copy(p_hbm.at[par, 1 - c, nsl], pb)

  pltpu.sync_copy(rows_hbm.at[c, w], rows_v)
  pltpu.sync_copy(cols_hbm.at[c, w], cols_v)
  pltpu.sync_copy(h_hbm.at[nsl], tb)

  def _fill(i, _):
    zb[i] = jnp.zeros((F,), jnp.float32)
    return 0
  lax.fori_loop(0, NPT, _fill, 0)

  def _fill1(i, _):
    msga[i] = jnp.full((F,), 1.0, jnp.float32)
    return 0
  lax.fori_loop(0, CHUNK, _fill1, 0)

  pltpu.sync_copy(zb, S.at[nsl])
  plsc.subcore_barrier()

  def _deg(ch, _):
    pltpu.sync_copy(msga, S.at[cols_v.at[ch]], add=True)
    return 0
  lax.fori_loop(0, CPT, _deg, 0)
  plsc.subcore_barrier()
  _exchange(1)

  def _const(i, _):
    deg = sb[i] + pb[i] + 1.0
    dv = _rsqrt16(deg)
    h = tb[i]
    ab[i] = (1.0 - ALPHA) * dv * dv
    bb[i] = ALPHA * dv * h
    tb[i] = dv * h
    return 0
  lax.fori_loop(0, NPT, _const, 0)
  pltpu.sync_copy(tb, T.at[nsl])
  plsc.subcore_barrier()

  def _gstart(ch, buf):
    pltpu.make_async_copy(T.at[rows_v.at[ch]], buf, gsem).start()

  def _gwait(ch, buf):
    pltpu.make_async_copy(T.at[rows_v.at[ch]], buf, gsem).wait()

  def _sstart(ch, buf):
    pltpu.make_async_copy(buf, S.at[cols_v.at[ch]], ssem).start(add=True)

  def _swait(ch, buf):
    pltpu.make_async_copy(buf, S.at[cols_v.at[ch]], ssem).wait()

  def _step(k, carry):
    _gstart(0, msga)

    def _pipe(j, c2):
      chA = 2 * j
      chB = chA + 1
      _gwait(chA, msga)
      _gstart(chB, msgb)
      _sstart(chA, msga)
      _gwait(chB, msgb)
      _swait(chA, msga)

      @pl.when(j < CPT // 2 - 1)
      def _():
        _gstart(chA + 2, msga)

      _sstart(chB, msgb)
      _swait(chB, msgb)
      return c2
    lax.fori_loop(0, CPT // 2, _pipe, 0)
    plsc.subcore_barrier()

    _exchange(k & 1)

    def _upd(i, c2):
      for u in range(4):
        q = i * 4 + u
        tb[q] = ab[q] * (sb[q] + pb[q] + tb[q]) + bb[q]
      return c2
    lax.fori_loop(0, NPT // 4, _upd, 0)
    pltpu.sync_copy(tb, T.at[nsl])
    plsc.subcore_barrier()
    return carry
  lax.fori_loop(0, K_PROP, _step, 0)

  def _fin(i, _):
    sb[i] = tb[i] * _rsqrt16(ab[i] * (1.0 / (1.0 - ALPHA)))
    return 0
  lax.fori_loop(0, NPT, _fin, 0)

  @pl.when(c == 0)
  def _():
    pltpu.sync_copy(sb, out_hbm.at[nsl])


_sc_prop = functools.partial(
    pl.kernel,
    out_type=(
        jax.ShapeDtypeStruct((N_PAD, F), jnp.float32),
        jax.ShapeDtypeStruct((2, N_CORE, N_PAD, F), jnp.float32),
    ),
    mesh=plsc.VectorSubcoreMesh(
        core_axis_name="c", subcore_axis_name="s", num_cores=2),
    compiler_params=pltpu.CompilerParams(
        use_tc_tiling_on_sc=False, needs_layout_passes=False),
    scratch_types=[
        pltpu.VMEM_SHARED((N_PAD, F), jnp.float32),
        pltpu.VMEM_SHARED((N_PAD, F), jnp.float32),
        pltpu.VMEM((NPT, F), jnp.float32),
        pltpu.VMEM((NPT, F), jnp.float32),
        pltpu.VMEM((NPT, F), jnp.float32),
        pltpu.VMEM((NPT, F), jnp.float32),
        pltpu.VMEM((NPT, F), jnp.float32),
        pltpu.VMEM((NPT, F), jnp.float32),
        pltpu.VMEM((CPT, CHUNK), jnp.int32),
        pltpu.VMEM((CPT, CHUNK), jnp.int32),
        pltpu.VMEM((CHUNK, F), jnp.float32),
        pltpu.VMEM((CHUNK, F), jnp.float32),
        pltpu.SemaphoreType.DMA,
        pltpu.SemaphoreType.DMA,
        pltpu.SemaphoreType.REGULAR,
        pltpu.SemaphoreType.DMA,
    ],
)(_sc_body)


def kernel(x, edge_index, W1, b1, W2, b2):
  h = _mlp(x, W1, b1, W2, b2)
  h_pad = jnp.pad(h, ((0, N_PAD - N_NODES), (0, 0)))

  ei = edge_index.astype(jnp.int32)
  pad = jnp.full((E_PAD - E,), N_NODES, jnp.int32)
  rows4 = jnp.concatenate([ei[0], pad]).reshape(N_CORE, N_SUB, CPT, CHUNK)
  cols4 = jnp.concatenate([ei[1], pad]).reshape(N_CORE, N_SUB, CPT, CHUNK)

  out, _ = _sc_prop(rows4, cols4, h_pad)
  return _log_softmax(out[:N_NODES])

# --- scband reference (transcript-rebuilt; emitter-appended) ---
"""Pipeline reference for scband-appnpnet-90675349553255 (READ-ONLY COPY).

The authoritative reference and input builder live on the scoring server;
editing this copy changes nothing except your own understanding.
"""

import jax, jax.numpy as jnp
import numpy as np

N_NODES = 10000
K_PROP = 10
ALPHA = 0.1

def setup_inputs(seed: int = 0) -> dict:
    key = jax.random.key(seed)
    k1, k2, k3, k4 = jax.random.split(key, 4)
    x = jax.random.normal(k1, (10000, 128), dtype=jnp.float32)
    edge_index = jax.random.randint(k2, (2, 320000), 0, 10000, dtype=jnp.int64)
    W1 = jax.random.normal(k3, (64, 128), dtype=jnp.float32) * (1.0 / np.sqrt(128))
    b1 = jnp.zeros((64,), dtype=jnp.float32)
    W2 = jax.random.normal(k4, (16, 64), dtype=jnp.float32) * (1.0 / np.sqrt(64))
    b2 = jnp.zeros((16,), dtype=jnp.float32)
    return {"x": x, "edge_index": edge_index, "W1": W1, "b1": b1, "W2": W2, "b2": b2}

def _gcn_norm(edge_index, num_nodes):
    # add self-loops
    loop = jnp.arange(num_nodes, dtype=edge_index.dtype)
    row = jnp.concatenate([edge_index[0], loop])
    col = jnp.concatenate([edge_index[1], loop])
    ones = jnp.ones_like(col, dtype=jnp.float32)
    deg = jax.ops.segment_sum(ones, col, num_segments=num_nodes)
    dinv = jnp.where(deg > 0, deg ** -0.5, 0.0)
    norm = dinv[row] * dinv[col]
    return row, col, norm

def reference(x, edge_index, W1, b1, W2, b2):
    # eval mode: dropout is identity
    h = jax.nn.relu(x @ W1.T + b1)
    h = h @ W2.T + b2
    row, col, norm = _gcn_norm(edge_index, N_NODES)
    x0 = h
    out = h
    for _ in range(K_PROP):
        msg = norm[:, None] * out[row]
        agg = jax.ops.segment_sum(msg, col, num_segments=N_NODES)
        out = (1.0 - ALPHA) * agg + ALPHA * x0
    return jax.nn.log_softmax(out, axis=-1)

if __name__ == "__main__":
    import jax
    _d = setup_inputs()
    print(jax.jit(kernel)(*tuple(_d.values())))

</pallas_src>

<mosaic_0001>
#map = affine_map<(d0, d1) -> (0, 0, 0, 0)>
#map1 = affine_map<(d0, d1) -> (0, 0)>
module attributes {stable_mosaic.version = 14 : i64} {
  func.func @_sc_body(%arg0: i32, %arg1: i32, %arg2: memref<2x16x40x256xi32, #tpu.memory_space<hbm>>, %arg3: memref<2x16x40x256xi32, #tpu.memory_space<hbm>>, %arg4: memref<10112x16xf32, #tpu.memory_space<hbm>>, %arg5: memref<10112x16xf32, #tpu.memory_space<hbm>>, %arg6: memref<2x2x10112x16xf32, #tpu.memory_space<hbm>>, %arg7: memref<10112x16xf32, #tpu.memory_space<vmem_shared>>, %arg8: memref<10112x16xf32, #tpu.memory_space<vmem_shared>>, %arg9: memref<632x16xf32, #tpu.memory_space<vmem>>, %arg10: memref<632x16xf32, #tpu.memory_space<vmem>>, %arg11: memref<632x16xf32, #tpu.memory_space<vmem>>, %arg12: memref<632x16xf32, #tpu.memory_space<vmem>>, %arg13: memref<632x16xf32, #tpu.memory_space<vmem>>, %arg14: memref<632x16xf32, #tpu.memory_space<vmem>>, %arg15: memref<40x256xi32, #tpu.memory_space<vmem>>, %arg16: memref<40x256xi32, #tpu.memory_space<vmem>>, %arg17: memref<256x16xf32, #tpu.memory_space<vmem>>, %arg18: memref<256x16xf32, #tpu.memory_space<vmem>>, %arg19: memref<!tpu.dma_semaphore, #tpu.memory_space<semaphore_mem>>, %arg20: memref<!tpu.dma_semaphore, #tpu.memory_space<semaphore_mem>>, %arg21: memref<!tpu.semaphore, #tpu.memory_space<semaphore_mem>>, %arg22: memref<!tpu.dma_semaphore, #tpu.memory_space<semaphore_mem>>) attributes {dimension_semantics = [#tpu.dimension_semantics<core_parallel>, #tpu.dimension_semantics<subcore_parallel>], iteration_bounds = array<i64: 2, 16>, scalar_prefetch = 0 : i64, scratch_operands = 16 : i64, tpu.core_type = #tpu.core_type<sc_vector_subcore>, window_params = [{transform_indices = #map}, {transform_indices = #map}, {transform_indices = #map1}, {transform_indices = #map1}, {transform_indices = #map}]} {
    %mul3A = arith.constant 632 : i32
    %mul3A_0 = arith.muli %arg1, %mul3A : i32
    "tpu.region"() ({
      %run_scoped3A_65 = tpu.sem_alloc : memref<!tpu.dma_semaphore, #tpu.memory_space<semaphore_mem>>
      %dma_start3A_66 = arith.constant 0 : i32
      %dma_start3A_67 = arith.constant 0 : i32
      %dma_start3A_68 = tpu.memref_slice %arg2[%arg0, %arg1, %dma_start3A_66, %dma_start3A_67] : memref<2x16x40x256xi32, #tpu.memory_space<hbm>> -> memref<1x1x40x256xi32, #tpu.memory_space<hbm>>
      %dma_start3A_69 = tpu.memref_squeeze %dma_start3A_68 : memref<1x1x40x256xi32, #tpu.memory_space<hbm>> -> memref<40x256xi32, #tpu.memory_space<hbm>>
      %dma_start3A_70 = arith.constant 0 : i32
      %dma_start3A_71 = arith.constant 0 : i32
      %dma_start3A_72 = tpu.memref_slice %arg2[%arg0, %arg1, %dma_start3A_70, %dma_start3A_71] : memref<2x16x40x256xi32, #tpu.memory_space<hbm>> -> memref<1x1x40x256xi32, #tpu.memory_space<hbm>>
      %dma_start3A_73 = tpu.memref_squeeze %dma_start3A_72 : memref<1x1x40x256xi32, #tpu.memory_space<hbm>> -> memref<40x256xi32, #tpu.memory_space<hbm>>
      tpu.enqueue_dma source(%dma_start3A_73 : memref<40x256xi32, #tpu.memory_space<hbm>>) target(%arg15 : memref<40x256xi32, #tpu.memory_space<vmem>>) target_semaphore(%run_scoped3A_65 : memref<!tpu.dma_semaphore, #tpu.memory_space<semaphore_mem>>)
      %dma_wait3A_74 = arith.constant 0 : i32
      %dma_wait3A_75 = arith.constant 0 : i32
      %dma_wait3A_76 = tpu.memref_slice %arg2[%arg0, %arg1, %dma_wait3A_74, %dma_wait3A_75] : memref<2x16x40x256xi32, #tpu.memory_space<hbm>> -> memref<1x1x40x256xi32, #tpu.memory_space<hbm>>
      %dma_wait3A_77 = tpu.memref_squeeze %dma_wait3A_76 : memref<1x1x40x256xi32, #tpu.memory_space<hbm>> -> memref<40x256xi32, #tpu.memory_space<hbm>>
      %dma_wait3A_78 = arith.constant 0 : i32
      %dma_wait3A_79 = arith.constant 0 : i32
      %dma_wait3A_80 = tpu.memref_slice %arg2[%arg0, %arg1, %dma_wait3A_78, %dma_wait3A_79] : memref<2x16x40x256xi32, #tpu.memory_space<hbm>> -> memref<1x1x40x256xi32, #tpu.memory_space<hbm>>
      %dma_wait3A_81 = tpu.memref_squeeze %dma_wait3A_80 : memref<1x1x40x256xi32, #tpu.memory_space<hbm>> -> memref<40x256xi32, #tpu.memory_space<hbm>>
      tpu.wait_dma2 semaphore(%run_scoped3A_65 : memref<!tpu.dma_semaphore, #tpu.memory_space<semaphore_mem>>) src(%dma_wait3A_81 : memref<40x256xi32, #tpu.memory_space<hbm>>) dst(%arg15 : memref<40x256xi32, #tpu.memory_space<vmem>>)
      tpu.yield
    }) : () -> ()
    "tpu.region"() ({
      %run_scoped3A_65 = tpu.sem_alloc : memref<!tpu.dma_semaphore, #tpu.memory_space<semaphore_mem>>
      %dma_start3A_66 = arith.constant 0 : i32
      %dma_start3A_67 = arith.constant 0 : i32
      %dma_start3A_68 = tpu.memref_slice %arg3[%arg0, %arg1, %dma_start3A_66, %dma_start3A_67] : memref<2x16x40x256xi32, #tpu.memory_space<hbm>> -> memref<1x1x40x256xi32, #tpu.memory_space<hbm>>
      %dma_start3A_69 = tpu.memref_squeeze %dma_start3A_68 : memref<1x1x40x256xi32, #tpu.memory_space<hbm>> -> memref<40x256xi32, #tpu.memory_space<hbm>>
      %dma_start3A_70 = arith.constant 0 : i32
      %dma_start3A_71 = arith.constant 0 : i32
      %dma_start3A_72 = tpu.memref_slice %arg3[%arg0, %arg1, %dma_start3A_70, %dma_start3A_71] : memref<2x16x40x256xi32, #tpu.memory_space<hbm>> -> memref<1x1x40x256xi32, #tpu.memory_space<hbm>>
      %dma_start3A_73 = tpu.memref_squeeze %dma_start3A_72 : memref<1x1x40x256xi32, #tpu.memory_space<hbm>> -> memref<40x256xi32, #tpu.memory_space<hbm>>
      tpu.enqueue_dma source(%dma_start3A_73 : memref<40x256xi32, #tpu.memory_space<hbm>>) target(%arg16 : memref<40x256xi32, #tpu.memory_space<vmem>>) target_semaphore(%run_scoped3A_65 : memref<!tpu.dma_semaphore, #tpu.memory_space<semaphore_mem>>)
      %dma_wait3A_74 = arith.constant 0 : i32
      %dma_wait3A_75 = arith.constant 0 : i32
      %dma_wait3A_76 = tpu.memref_slice %arg3[%arg0, %arg1, %dma_wait3A_74, %dma_wait3A_75] : memref<2x16x40x256xi32, #tpu.memory_space<hbm>> -> memref<1x1x40x256xi32, #tpu.memory_space<hbm>>
      %dma_wait3A_77 = tpu.memref_squeeze %dma_wait3A_76 : memref<1x1x40x256xi32, #tpu.memory_space<hbm>> -> memref<40x256xi32, #tpu.memory_space<hbm>>
      %dma_wait3A_78 = arith.constant 0 : i32
      %dma_wait3A_79 = arith.constant 0 : i32
      %dma_wait3A_80 = tpu.memref_slice %arg3[%arg0, %arg1, %dma_wait3A_78, %dma_wait3A_79] : memref<2x16x40x256xi32, #tpu.memory_space<hbm>> -> memref<1x1x40x256xi32, #tpu.memory_space<hbm>>
      %dma_wait3A_81 = tpu.memref_squeeze %dma_wait3A_80 : memref<1x1x40x256xi32, #tpu.memory_space<hbm>> -> memref<40x256xi32, #tpu.memory_space<hbm>>
      tpu.wait_dma2 semaphore(%run_scoped3A_65 : memref<!tpu.dma_semaphore, #tpu.memory_space<semaphore_mem>>) src(%dma_wait3A_81 : memref<40x256xi32, #tpu.memory_space<hbm>>) dst(%arg16 : memref<40x256xi32, #tpu.memory_space<vmem>>)
      tpu.yield
    }) : () -> ()
    "tpu.region"() ({
      %run_scoped3A_65 = tpu.sem_alloc : memref<!tpu.dma_semaphore, #tpu.memory_space<semaphore_mem>>
      %dma_start3A_66 = arith.constant 0 : i32
      %dma_start3A_67 = tpu.memref_slice %arg4[%mul3A_0, %dma_start3A_66] : memref<10112x16xf32, #tpu.memory_space<hbm>> -> memref<632x16xf32, #tpu.memory_space<hbm>>
      %dma_start3A_68 = arith.constant 0 : i32
      %dma_start3A_69 = tpu.memref_slice %arg4[%mul3A_0, %dma_start3A_68] : memref<10112x16xf32, #tpu.memory_space<hbm>> -> memref<632x16xf32, #tpu.memory_space<hbm>>
      tpu.enqueue_dma source(%dma_start3A_69 : memref<632x16xf32, #tpu.memory_space<hbm>>) target(%arg11 : memref<632x16xf32, #tpu.memory_space<vmem>>) target_semaphore(%run_scoped3A_65 : memref<!tpu.dma_semaphore, #tpu.memory_space<semaphore_mem>>)
      %dma_wait3A_70 = arith.constant 0 : i32
      %dma_wait3A_71 = tpu.memref_slice %arg4[%mul3A_0, %dma_wait3A_70] : memref<10112x16xf32, #tpu.memory_space<hbm>> -> memref<632x16xf32, #tpu.memory_space<hbm>>
      %dma_wait3A_72 = arith.constant 0 : i32
      %dma_wait3A_73 = tpu.memref_slice %arg4[%mul3A_0, %dma_wait3A_72] : memref<10112x16xf32, #tpu.memory_space<hbm>> -> memref<632x16xf32, #tpu.memory_space<hbm>>
      tpu.wait_dma2 semaphore(%run_scoped3A_65 : memref<!tpu.dma_semaphore, #tpu.memory_space<semaphore_mem>>) src(%dma_wait3A_73 : memref<632x16xf32, #tpu.memory_space<hbm>>) dst(%arg11 : memref<632x16xf32, #tpu.memory_space<vmem>>)
      tpu.yield
    }) : () -> ()
    %scan3A = arith.constant 0 : i32
    %scan3A_1 = arith.constant 0 : i32
    %scan3A_2 = arith.constant 632 : i32
    %scan3A_3 = arith.addi %scan3A_1, %scan3A_2 : i32
    %scan3A_4 = arith.constant 1 : i32
    %scan3A_5 = scf.for %scan3A_65 = %scan3A_1 to %scan3A_3 step %scan3A_4 iter_args(%scan3A_66 = %scan3A) -> (i32)  : i32 {
      %broadcast_in_dim3A = arith.constant 0.000000e+00 : f32
      %broadcast_in_dim3A_67 = vector.broadcast %broadcast_in_dim3A : f32 to vector<16xf32>
      %swap3A = arith.index_cast %scan3A_65 : i32 to index
      %swap3A_68 = arith.constant 0 : index
      %swap3A_69 = tpu.vector_load %arg14[%swap3A, %swap3A_68] {strides = array<i32>} : memref<632x16xf32, #tpu.memory_space<vmem>>, vector<16xf32>,
      tpu.vector_store %arg14[%swap3A, %swap3A_68], %broadcast_in_dim3A_67 {strides = array<i32>} : memref<632x16xf32, #tpu.memory_space<vmem>>, vector<16xf32>,
      %scan3A_70 = arith.constant 0 : i32
      scf.yield %scan3A_70 : i32
    }
    %scan3A_6 = arith.constant 632 : i32
    %scan3A_7 = arith.constant 0 : i32
    %scan3A_8 = arith.constant 0 : i32
    %scan3A_9 = arith.constant 256 : i32
    %scan3A_10 = arith.addi %scan3A_8, %scan3A_9 : i32
    %scan3A_11 = arith.constant 1 : i32
    %scan3A_12 = scf.for %scan3A_65 = %scan3A_8 to %scan3A_10 step %scan3A_11 iter_args(%scan3A_66 = %scan3A_7) -> (i32)  : i32 {
      %broadcast_in_dim3A = arith.constant 1.000000e+00 : f32
      %broadcast_in_dim3A_67 = vector.broadcast %broadcast_in_dim3A : f32 to vector<16xf32>
      %swap3A = arith.index_cast %scan3A_65 : i32 to index
      %swap3A_68 = arith.constant 0 : index
      %swap3A_69 = tpu.vector_load %arg17[%swap3A, %swap3A_68] {strides = array<i32>} : memref<256x16xf32, #tpu.memory_space<vmem>>, vector<16xf32>,
      tpu.vector_store %arg17[%swap3A, %swap3A_68], %broadcast_in_dim3A_67 {strides = array<i32>} : memref<256x16xf32, #tpu.memory_space<vmem>>, vector<16xf32>,
      %scan3A_70 = arith.constant 0 : i32
      scf.yield %scan3A_70 : i32
    }
    %scan3A_13 = arith.constant 256 : i32
    "tpu.region"() ({
      %run_scoped3A_65 = tpu.sem_alloc : memref<!tpu.dma_semaphore, #tpu.memory_space<semaphore_mem>>
      %dma_start3A_66 = arith.constant 0 : i32
      %dma_start3A_67 = tpu.memref_slice %arg8[%mul3A_0, %dma_start3A_66] : memref<10112x16xf32, #tpu.memory_space<vmem_shared>> -> memref<632x16xf32, #tpu.memory_space<vmem_shared>>
      %dma_start3A_68 = arith.constant 0 : i32
      %dma_start3A_69 = tpu.memref_slice %arg8[%mul3A_0, %dma_start3A_68] : memref<10112x16xf32, #tpu.memory_space<vmem_shared>> -> memref<632x16xf32, #tpu.memory_space<vmem_shared>>
      tpu.enqueue_dma source(%arg14 : memref<632x16xf32, #tpu.memory_space<vmem>>) target(%dma_start3A_69 : memref<632x16xf32, #tpu.memory_space<vmem_shared>>) target_semaphore(%run_scoped3A_65 : memref<!tpu.dma_semaphore, #tpu.memory_space<semaphore_mem>>)
      %dma_wait3A_70 = arith.constant 0 : i32
      %dma_wait3A_71 = tpu.memref_slice %arg8[%mul3A_0, %dma_wait3A_70] : memref<10112x16xf32, #tpu.memory_space<vmem_shared>> -> memref<632x16xf32, #tpu.memory_space<vmem_shared>>
      %dma_wait3A_72 = arith.constant 0 : i32
      %dma_wait3A_73 = tpu.memref_slice %arg8[%mul3A_0, %dma_wait3A_72] : memref<10112x16xf32, #tpu.memory_space<vmem_shared>> -> memref<632x16xf32, #tpu.memory_space<vmem_shared>>
      tpu.wait_dma2 semaphore(%run_scoped3A_65 : memref<!tpu.dma_semaphore, #tpu.memory_space<semaphore_mem>>) src(%arg14 : memref<632x16xf32, #tpu.memory_space<vmem>>) dst(%dma_wait3A_73 : memref<632x16xf32, #tpu.memory_space<vmem_shared>>)
      tpu.yield
    }) : () -> ()
    %barrier3A = arith.constant 0 : index
    tpu.barrier barrier_id(%barrier3A)
    %scan3A_14 = arith.constant 0 : i32
    %scan3A_15 = arith.constant 0 : i32
    %scan3A_16 = arith.constant 40 : i32
    %scan3A_17 = arith.addi %scan3A_15, %scan3A_16 : i32
    %scan3A_18 = arith.constant 1 : i32
    %scan3A_19 = scf.for %scan3A_65 = %scan3A_15 to %scan3A_17 step %scan3A_18 iter_args(%scan3A_66 = %scan3A_14) -> (i32)  : i32 {
      "tpu.region"() ({
        %run_scoped3A_68 = tpu.sem_alloc : memref<!tpu.dma_semaphore, #tpu.memory_space<semaphore_mem>>
        %dma_start3A_69 = arith.constant 0 : i32
        %dma_start3A_70 = tpu.memref_slice %arg16[%scan3A_65, %dma_start3A_69] : memref<40x256xi32, #tpu.memory_space<vmem>> -> memref<1x256xi32, #tpu.memory_space<vmem>>
        %dma_start3A_71 = tpu.memref_squeeze %dma_start3A_70 : memref<1x256xi32, #tpu.memory_space<vmem>> -> memref<256xi32, #tpu.memory_space<vmem>>
        %dma_start3A_72 = arith.constant 0 : i32
        %dma_start3A_73 = arith.constant 0 : i32
        %dma_start3A_74 = tpu.memref_slice %arg8[%dma_start3A_72, %dma_start3A_73] : memref<10112x16xf32, #tpu.memory_space<vmem_shared>> -> memref<10112x16xf32, #tpu.memory_space<vmem_shared>>
        tpu.enqueue_indirect_dma source(%arg17 : memref<256x16xf32, #tpu.memory_space<vmem>>) target(%dma_start3A_74 : memref<10112x16xf32, #tpu.memory_space<vmem_shared>>) offsets(%dma_start3A_71 : memref<256xi32, #tpu.memory_space<vmem>>) semaphore(%run_scoped3A_68 : memref<!tpu.dma_semaphore, #tpu.memory_space<semaphore_mem>>) {add = true}
        %dma_wait3A_75 = arith.constant 0 : i32
        %dma_wait3A_76 = tpu.memref_slice %arg16[%scan3A_65, %dma_wait3A_75] : memref<40x256xi32, #tpu.memory_space<vmem>> -> memref<1x256xi32, #tpu.memory_space<vmem>>
        %dma_wait3A_77 = tpu.memref_squeeze %dma_wait3A_76 : memref<1x256xi32, #tpu.memory_space<vmem>> -> memref<256xi32, #tpu.memory_space<vmem>>
        %dma_wait3A_78 = arith.constant 0 : i32
        %dma_wait3A_79 = arith.constant 0 : i32
        %dma_wait3A_80 = tpu.memref_slice %arg8[%dma_wait3A_78, %dma_wait3A_79] : memref<10112x16xf32, #tpu.memory_space<vmem_shared>> -> memref<10112x16xf32, #tpu.memory_space<vmem_shared>>
        tpu.wait_indirect_dma semaphore(%run_scoped3A_68 : memref<!tpu.dma_semaphore, #tpu.memory_space<semaphore_mem>>) src(%arg17 : memref<256x16xf32, #tpu.memory_space<vmem>>) dst(%dma_wait3A_80 : memref<10112x16xf32, #tpu.memory_space<vmem_shared>>)
        tpu.yield
      }) : () -> ()
      %scan3A_67 = arith.constant 0 : i32
      scf.yield %scan3A_67 : i32
    }
    %scan3A_20 = arith.constant 40 : i32
    %barrier3A_21 = arith.constant 0 : index
    tpu.barrier barrier_id(%barrier3A_21)
    "tpu.region"() ({
      %run_scoped3A_65 = tpu.sem_alloc : memref<!tpu.dma_semaphore, #tpu.memory_space<semaphore_mem>>
      %dma_start3A_66 = arith.constant 0 : i32
      %dma_start3A_67 = tpu.memref_slice %arg8[%mul3A_0, %dma_start3A_66] : memref<10112x16xf32, #tpu.memory_space<vmem_shared>> -> memref<632x16xf32, #tpu.memory_space<vmem_shared>>
      %dma_start3A_68 = arith.constant 0 : i32
      %dma_start3A_69 = tpu.memref_slice %arg8[%mul3A_0, %dma_start3A_68] : memref<10112x16xf32, #tpu.memory_space<vmem_shared>> -> memref<632x16xf32, #tpu.memory_space<vmem_shared>>
      tpu.enqueue_dma source(%dma_start3A_69 : memref<632x16xf32, #tpu.memory_space<vmem_shared>>) target(%arg12 : memref<632x16xf32, #tpu.memory_space<vmem>>) target_semaphore(%run_scoped3A_65 : memref<!tpu.dma_semaphore, #tpu.memory_space<semaphore_mem>>)
      %dma_wait3A_70 = arith.constant 0 : i32
      %dma_wait3A_71 = tpu.memref_slice %arg8[%mul3A_0, %dma_wait3A_70] : memref<10112x16xf32, #tpu.memory_space<vmem_shared>> -> memref<632x16xf32, #tpu.memory_space<vmem_shared>>
      %dma_wait3A_72 = arith.constant 0 : i32
      %dma_wait3A_73 = tpu.memref_slice %arg8[%mul3A_0, %dma_wait3A_72] : memref<10112x16xf32, #tpu.memory_space<vmem_shared>> -> memref<632x16xf32, #tpu.memory_space<vmem_shared>>
      tpu.wait_dma2 semaphore(%run_scoped3A_65 : memref<!tpu.dma_semaphore, #tpu.memory_space<semaphore_mem>>) src(%dma_wait3A_73 : memref<632x16xf32, #tpu.memory_space<vmem_shared>>) dst(%arg12 : memref<632x16xf32, #tpu.memory_space<vmem>>)
      tpu.yield
    }) : () -> ()
    %dma_start3A = arith.constant 1 : i32
    %dma_start3A_22 = arith.constant 0 : i32
    %dma_start3A_23 = tpu.memref_slice %arg6[%dma_start3A, %arg0, %mul3A_0, %dma_start3A_22] : memref<2x2x10112x16xf32, #tpu.memory_space<hbm>> -> memref<1x1x632x16xf32, #tpu.memory_space<hbm>>
    %dma_start3A_24 = tpu.memref_squeeze %dma_start3A_23 : memref<1x1x632x16xf32, #tpu.memory_space<hbm>> -> memref<632x16xf32, #tpu.memory_space<hbm>>
    %dma_start3A_25 = arith.constant 0 : i32
    %dma_start3A_26 = tpu.memref_slice %arg6[%dma_start3A, %arg0, %mul3A_0, %dma_start3A_25] : memref<2x2x10112x16xf32, #tpu.memory_space<hbm>> -> memref<1x1x632x16xf32, #tpu.memory_space<hbm>>
    %dma_start3A_27 = tpu.memref_squeeze %dma_start3A_26 : memref<1x1x632x16xf32, #tpu.memory_space<hbm>> -> memref<632x16xf32, #tpu.memory_space<hbm>>
    tpu.enqueue_dma source(%arg12 : memref<632x16xf32, #tpu.memory_space<vmem>>) target(%dma_start3A_27 : memref<632x16xf32, #tpu.memory_space<hbm>>) target_semaphore(%arg22 : memref<!tpu.dma_semaphore, #tpu.memory_space<semaphore_mem>>)
    "tpu.region"() ({
      %run_scoped3A_65 = tpu.sem_alloc : memref<!tpu.dma_semaphore, #tpu.memory_space<semaphore_mem>>
      %dma_start3A_66 = arith.constant 0 : i32
      %dma_start3A_67 = tpu.memref_slice %arg8[%mul3A_0, %dma_start3A_66] : memref<10112x16xf32, #tpu.memory_space<vmem_shared>> -> memref<632x16xf32, #tpu.memory_space<vmem_shared>>
      %dma_start3A_68 = arith.constant 0 : i32
      %dma_start3A_69 = tpu.memref_slice %arg8[%mul3A_0, %dma_start3A_68] : memref<10112x16xf32, #tpu.memory_space<vmem_shared>> -> memref<632x16xf32, #tpu.memory_space<vmem_shared>>
      tpu.enqueue_dma source(%arg14 : memref<632x16xf32, #tpu.memory_space<vmem>>) target(%dma_start3A_69 : memref<632x16xf32, #tpu.memory_space<vmem_shared>>) target_semaphore(%run_scoped3A_65 : memref<!tpu.dma_semaphore, #tpu.memory_space<semaphore_mem>>)
      %dma_wait3A_70 = arith.constant 0 : i32
      %dma_wait3A_71 = tpu.memref_slice %arg8[%mul3A_0, %dma_wait3A_70] : memref<10112x16xf32, #tpu.memory_space<vmem_shared>> -> memref<632x16xf32, #tpu.memory_space<vmem_shared>>
      %dma_wait3A_72 = arith.constant 0 : i32
      %dma_wait3A_73 = tpu.memref_slice %arg8[%mul3A_0, %dma_wait3A_72] : memref<10112x16xf32, #tpu.memory_space<vmem_shared>> -> memref<632x16xf32, #tpu.memory_space<vmem_shared>>
      tpu.wait_dma2 semaphore(%run_scoped3A_65 : memref<!tpu.dma_semaphore, #tpu.memory_space<semaphore_mem>>) src(%arg14 : memref<632x16xf32, #tpu.memory_space<vmem>>) dst(%dma_wait3A_73 : memref<632x16xf32, #tpu.memory_space<vmem_shared>>)
      tpu.yield
    }) : () -> ()
    %dma_wait3A = arith.constant 1 : i32
    %dma_wait3A_28 = arith.constant 0 : i32
    %dma_wait3A_29 = tpu.memref_slice %arg6[%dma_wait3A, %arg0, %mul3A_0, %dma_wait3A_28] : memref<2x2x10112x16xf32, #tpu.memory_space<hbm>> -> memref<1x1x632x16xf32, #tpu.memory_space<hbm>>
    %dma_wait3A_30 = tpu.memref_squeeze %dma_wait3A_29 : memref<1x1x632x16xf32, #tpu.memory_space<hbm>> -> memref<632x16xf32, #tpu.memory_space<hbm>>
    %dma_wait3A_31 = arith.constant 0 : i32
    %dma_wait3A_32 = tpu.memref_slice %arg6[%dma_wait3A, %arg0, %mul3A_0, %dma_wait3A_31] : memref<2x2x10112x16xf32, #tpu.memory_space<hbm>> -> memref<1x1x632x16xf32, #tpu.memory_space<hbm>>
    %dma_wait3A_33 = tpu.memref_squeeze %dma_wait3A_32 : memref<1x1x632x16xf32, #tpu.memory_space<hbm>> -> memref<632x16xf32, #tpu.memory_space<hbm>>
    tpu.wait_dma2 semaphore(%arg22 : memref<!tpu.dma_semaphore, #tpu.memory_space<semaphore_mem>>) src(%arg12 : memref<632x16xf32, #tpu.memory_space<vmem>>) dst(%dma_wait3A_33 : memref<632x16xf32, #tpu.memory_space<hbm>>)
    %barrier3A_34 = arith.constant 0 : index
    tpu.barrier barrier_id(%barrier3A_34)
    %eq3A = arith.constant 0 : i32
    %eq3A_35 = arith.cmpi eq, %arg1, %eq3A : i32
    %convert_element_type3A = arith.extui %eq3A_35 : i1 to i32
    %cond3A = arith.constant 0 : i32
    %cond3A_36 = arith.cmpi ne, %convert_element_type3A, %cond3A : i32
    scf.if %cond3A_36 {
      %sub3A_65 = arith.constant 1 : i32
      %sub3A_66 = arith.subi %sub3A_65, %arg0 : i32
      %semaphore_signal3A = arith.constant 1 : i32
      tpu.sem_signal %arg21, %semaphore_signal3A core_id %sub3A_66 : memref<!tpu.semaphore, #tpu.memory_space<semaphore_mem>>
      %semaphore_wait3A = arith.constant 1 : i32
      %semaphore_wait3A_67 = arith.constant true
      tpu.sem_wait %arg21, %semaphore_wait3A : memref<!tpu.semaphore, #tpu.memory_space<semaphore_mem>>
    } else {
    }
    %barrier3A_37 = arith.constant 0 : index
    tpu.barrier barrier_id(%barrier3A_37)
    %sub3A = arith.constant 1 : i32
    %sub3A_38 = arith.subi %sub3A, %arg0 : i32
    %run_scoped3A = arith.constant 1 : i32
    "tpu.region"() ({
      %run_scoped3A_65 = tpu.sem_alloc : memref<!tpu.dma_semaphore, #tpu.memory_space<semaphore_mem>>
      %dma_start3A_66 = arith.constant 0 : i32
      %dma_start3A_67 = tpu.memref_slice %arg6[%run_scoped3A, %sub3A_38, %mul3A_0, %dma_start3A_66] : memref<2x2x10112x16xf32, #tpu.memory_space<hbm>> -> memref<1x1x632x16xf32, #tpu.memory_space<hbm>>
      %dma_start3A_68 = tpu.memref_squeeze %dma_start3A_67 : memref<1x1x632x16xf32, #tpu.memory_space<hbm>> -> memref<632x16xf32, #tpu.memory_space<hbm>>
      %dma_start3A_69 = arith.constant 0 : i32
      %dma_start3A_70 = tpu.memref_slice %arg6[%run_scoped3A, %sub3A_38, %mul3A_0, %dma_start3A_69] : memref<2x2x10112x16xf32, #tpu.memory_space<hbm>> -> memref<1x1x632x16xf32, #tpu.memory_space<hbm>>
      %dma_start3A_71 = tpu.memref_squeeze %dma_start3A_70 : memref<1x1x632x16xf32, #tpu.memory_space<hbm>> -> memref<632x16xf32, #tpu.memory_space<hbm>>
      tpu.enqueue_dma source(%dma_start3A_71 : memref<632x16xf32, #tpu.memory_space<hbm>>) target(%arg13 : memref<632x16xf32, #tpu.memory_space<vmem>>) target_semaphore(%run_scoped3A_65 : memref<!tpu.dma_semaphore, #tpu.memory_space<semaphore_mem>>)
      %dma_wait3A_72 = arith.constant 0 : i32
      %dma_wait3A_73 = tpu.memref_slice %arg6[%run_scoped3A, %sub3A_38, %mul3A_0, %dma_wait3A_72] : memref<2x2x10112x16xf32, #tpu.memory_space<hbm>> -> memref<1x1x632x16xf32, #tpu.memory_space<hbm>>
      %dma_wait3A_74 = tpu.memref_squeeze %dma_wait3A_73 : memref<1x1x632x16xf32, #tpu.memory_space<hbm>> -> memref<632x16xf32, #tpu.memory_space<hbm>>
      %dma_wait3A_75 = arith.constant 0 : i32
      %dma_wait3A_76 = tpu.memref_slice %arg6[%run_scoped3A, %sub3A_38, %mul3A_0, %dma_wait3A_75] : memref<2x2x10112x16xf32, #tpu.memory_space<hbm>> -> memref<1x1x632x16xf32, #tpu.memory_space<hbm>>
      %dma_wait3A_77 = tpu.memref_squeeze %dma_wait3A_76 : memref<1x1x632x16xf32, #tpu.memory_space<hbm>> -> memref<632x16xf32, #tpu.memory_space<hbm>>
      tpu.wait_dma2 semaphore(%run_scoped3A_65 : memref<!tpu.dma_semaphore, #tpu.memory_space<semaphore_mem>>) src(%dma_wait3A_77 : memref<632x16xf32, #tpu.memory_space<hbm>>) dst(%arg13 : memref<632x16xf32, #tpu.memory_space<vmem>>)
      tpu.yield
    }) : () -> ()
    %scan3A_39 = arith.constant 0 : i32
    %scan3A_40 = arith.constant 0 : i32
    %scan3A_41 = arith.constant 632 : i32
    %scan3A_42 = arith.addi %scan3A_40, %scan3A_41 : i32
    %scan3A_43 = arith.constant 1 : i32
    %scan3A_44 = scf.for %scan3A_65 = %scan3A_40 to %scan3A_42 step %scan3A_43 iter_args(%scan3A_66 = %scan3A_39) -> (i32)  : i32 {
      %get3A = arith.index_cast %scan3A_65 : i32 to index
      %get3A_67 = arith.constant 0 : index
      %get3A_68 = tpu.vector_load %arg12[%get3A, %get3A_67] {strides = array<i32>} : memref<632x16xf32, #tpu.memory_space<vmem>>, vector<16xf32>,
      %get3A_69 = arith.index_cast %scan3A_65 : i32 to index
      %get3A_70 = arith.constant 0 : index
      %get3A_71 = tpu.vector_load %arg13[%get3A_69, %get3A_70] {strides = array<i32>} : memref<632x16xf32, #tpu.memory_space<vmem>>, vector<16xf32>,
      %add3A = arith.addf %get3A_68, %get3A_71 : vector<16xf32>
      %add3A_72 = arith.constant 1.000000e+00 : f32
      %add3A_73 = vector.broadcast %add3A_72 : f32 to vector<16xf32>
      %add3A_74 = arith.addf %add3A, %add3A_73 : vector<16xf32>
      %broadcast_in_dim3A = arith.constant 1.000000e+00 : f32
      %broadcast_in_dim3A_75 = vector.broadcast %broadcast_in_dim3A : f32 to vector<16xf32>
      %ge3A = arith.constant 2.000000e+00 : f32
      %ge3A_76 = vector.broadcast %ge3A : f32 to vector<16xf32>
      %ge3A_77 = arith.cmpf oge, %add3A_74, %ge3A_76 : vector<16xf32>
      %jit3A = arith.constant 5.000000e-01 : f32
      %broadcast_in_dim3A_78 = vector.broadcast %jit3A : f32 to vector<16xf32>
      %select_n3A = arith.select %ge3A_77, %broadcast_in_dim3A_78, %broadcast_in_dim3A_75 : vector<16xi1>, vector<16xf32>
      %ge3A_79 = arith.constant 8.000000e+00 : f32
      %ge3A_80 = vector.broadcast %ge3A_79 : f32 to vector<16xf32>
      %ge3A_81 = arith.cmpf oge, %add3A_74, %ge3A_80 : vector<16xf32>
      %jit3A_82 = arith.constant 2.500000e-01 : f32
      %broadcast_in_dim3A_83 = vector.broadcast %jit3A_82 : f32 to vector<16xf32>
      %select_n3A_84 = arith.select %ge3A_81, %broadcast_in_dim3A_83, %select_n3A : vector<16xi1>, vector<16xf32>
      %ge3A_85 = arith.constant 3.200000e+01 : f32
      %ge3A_86 = vector.broadcast %ge3A_85 : f32 to vector<16xf32>
      %ge3A_87 = arith.cmpf oge, %add3A_74, %ge3A_86 : vector<16xf32>
      %jit3A_88 = arith.constant 1.250000e-01 : f32
      %broadcast_in_dim3A_89 = vector.broadcast %jit3A_88 : f32 to vector<16xf32>
      %select_n3A_90 = arith.select %ge3A_87, %broadcast_in_dim3A_89, %select_n3A_84 : vector<16xi1>, vector<16xf32>
      %ge3A_91 = arith.constant 1.280000e+02 : f32
      %ge3A_92 = vector.broadcast %ge3A_91 : f32 to vector<16xf32>
      %ge3A_93 = arith.cmpf oge, %add3A_74, %ge3A_92 : vector<16xf32>
      %jit3A_94 = arith.constant 6.250000e-02 : f32
      %broadcast_in_dim3A_95 = vector.broadcast %jit3A_94 : f32 to vector<16xf32>
      %select_n3A_96 = arith.select %ge3A_93, %broadcast_in_dim3A_95, %select_n3A_90 : vector<16xi1>, vector<16xf32>
      %ge3A_97 = arith.constant 5.120000e+02 : f32
      %ge3A_98 = vector.broadcast %ge3A_97 : f32 to vector<16xf32>
      %ge3A_99 = arith.cmpf oge, %add3A_74, %ge3A_98 : vector<16xf32>
      %jit3A_100 = arith.constant 3.125000e-02 : f32
      %broadcast_in_dim3A_101 = vector.broadcast %jit3A_100 : f32 to vector<16xf32>
      %select_n3A_102 = arith.select %ge3A_99, %broadcast_in_dim3A_101, %select_n3A_96 : vector<16xi1>, vector<16xf32>
      %ge3A_103 = arith.constant 2.048000e+03 : f32
      %ge3A_104 = vector.broadcast %ge3A_103 : f32 to vector<16xf32>
      %ge3A_105 = arith.cmpf oge, %add3A_74, %ge3A_104 : vector<16xf32>
      %jit3A_106 = arith.constant 1.562500e-02 : f32
      %broadcast_in_dim3A_107 = vector.broadcast %jit3A_106 : f32 to vector<16xf32>
      %select_n3A_108 = arith.select %ge3A_105, %broadcast_in_dim3A_107, %select_n3A_102 : vector<16xi1>, vector<16xf32>
      %ge3A_109 = arith.constant 8.192000e+03 : f32
      %ge3A_110 = vector.broadcast %ge3A_109 : f32 to vector<16xf32>
      %ge3A_111 = arith.cmpf oge, %add3A_74, %ge3A_110 : vector<16xf32>
      %jit3A_112 = arith.constant 7.812500e-03 : f32
      %broadcast_in_dim3A_113 = vector.broadcast %jit3A_112 : f32 to vector<16xf32>
      %select_n3A_114 = arith.select %ge3A_111, %broadcast_in_dim3A_113, %select_n3A_108 : vector<16xi1>, vector<16xf32>
      %ge3A_115 = arith.constant 3.276800e+04 : f32
      %ge3A_116 = vector.broadcast %ge3A_115 : f32 to vector<16xf32>
      %ge3A_117 = arith.cmpf oge, %add3A_74, %ge3A_116 : vector<16xf32>
      %jit3A_118 = arith.constant 3.906250e-03 : f32
      %broadcast_in_dim3A_119 = vector.broadcast %jit3A_118 : f32 to vector<16xf32>
      %select_n3A_120 = arith.select %ge3A_117, %broadcast_in_dim3A_119, %select_n3A_114 : vector<16xi1>, vector<16xf32>
      %ge3A_121 = arith.constant 1.310720e+05 : f32
      %ge3A_122 = vector.broadcast %ge3A_121 : f32 to vector<16xf32>
      %ge3A_123 = arith.cmpf oge, %add3A_74, %ge3A_122 : vector<16xf32>
      %jit3A_124 = arith.constant 0.001953125 : f32
      %broadcast_in_dim3A_125 = vector.broadcast %jit3A_124 : f32 to vector<16xf32>
      %select_n3A_126 = arith.select %ge3A_123, %broadcast_in_dim3A_125, %select_n3A_120 : vector<16xi1>, vector<16xf32>
      %ge3A_127 = arith.constant 5.242880e+05 : f32
      %ge3A_128 = vector.broadcast %ge3A_127 : f32 to vector<16xf32>
      %ge3A_129 = arith.cmpf oge, %add3A_74, %ge3A_128 : vector<16xf32>
      %jit3A_130 = arith.constant 9.765625E-4 : f32
      %broadcast_in_dim3A_131 = vector.broadcast %jit3A_130 : f32 to vector<16xf32>
      %select_n3A_132 = arith.select %ge3A_129, %broadcast_in_dim3A_131, %select_n3A_126 : vector<16xi1>, vector<16xf32>
      %le3A = arith.constant 5.000000e-01 : f32
      %le3A_133 = vector.broadcast %le3A : f32 to vector<16xf32>
      %le3A_134 = arith.cmpf ole, %add3A_74, %le3A_133 : vector<16xf32>
      %jit3A_135 = arith.constant 2.000000e+00 : f32
      %broadcast_in_dim3A_136 = vector.broadcast %jit3A_135 : f32 to vector<16xf32>
      %select_n3A_137 = arith.select %le3A_134, %broadcast_in_dim3A_136, %select_n3A_132 : vector<16xi1>, vector<16xf32>
      %le3A_138 = arith.constant 1.250000e-01 : f32
      %le3A_139 = vector.broadcast %le3A_138 : f32 to vector<16xf32>
      %le3A_140 = arith.cmpf ole, %add3A_74, %le3A_139 : vector<16xf32>
      %jit3A_141 = arith.constant 4.000000e+00 : f32
      %broadcast_in_dim3A_142 = vector.broadcast %jit3A_141 : f32 to vector<16xf32>
      %select_n3A_143 = arith.select %le3A_140, %broadcast_in_dim3A_142, %select_n3A_137 : vector<16xi1>, vector<16xf32>
      %le3A_144 = arith.constant 3.125000e-02 : f32
      %le3A_145 = vector.broadcast %le3A_144 : f32 to vector<16xf32>
      %le3A_146 = arith.cmpf ole, %add3A_74, %le3A_145 : vector<16xf32>
      %jit3A_147 = arith.constant 8.000000e+00 : f32
      %broadcast_in_dim3A_148 = vector.broadcast %jit3A_147 : f32 to vector<16xf32>
      %select_n3A_149 = arith.select %le3A_146, %broadcast_in_dim3A_148, %select_n3A_143 : vector<16xi1>, vector<16xf32>
      %le3A_150 = arith.constant 7.812500e-03 : f32
      %le3A_151 = vector.broadcast %le3A_150 : f32 to vector<16xf32>
      %le3A_152 = arith.cmpf ole, %add3A_74, %le3A_151 : vector<16xf32>
      %jit3A_153 = arith.constant 1.600000e+01 : f32
      %broadcast_in_dim3A_154 = vector.broadcast %jit3A_153 : f32 to vector<16xf32>
      %select_n3A_155 = arith.select %le3A_152, %broadcast_in_dim3A_154, %select_n3A_149 : vector<16xi1>, vector<16xf32>
      %le3A_156 = arith.constant 0.001953125 : f32
      %le3A_157 = vector.broadcast %le3A_156 : f32 to vector<16xf32>
      %le3A_158 = arith.cmpf ole, %add3A_74, %le3A_157 : vector<16xf32>
      %jit3A_159 = arith.constant 3.200000e+01 : f32
      %broadcast_in_dim3A_160 = vector.broadcast %jit3A_159 : f32 to vector<16xf32>
      %select_n3A_161 = arith.select %le3A_158, %broadcast_in_dim3A_160, %select_n3A_155 : vector<16xi1>, vector<16xf32>
      %le3A_162 = arith.constant 4.8828125E-4 : f32
      %le3A_163 = vector.broadcast %le3A_162 : f32 to vector<16xf32>
      %le3A_164 = arith.cmpf ole, %add3A_74, %le3A_163 : vector<16xf32>
      %jit3A_165 = arith.constant 6.400000e+01 : f32
      %broadcast_in_dim3A_166 = vector.broadcast %jit3A_165 : f32 to vector<16xf32>
      %select_n3A_167 = arith.select %le3A_164, %broadcast_in_dim3A_166, %select_n3A_161 : vector<16xi1>, vector<16xf32>
      %le3A_168 = arith.constant 1.22070313E-4 : f32
      %le3A_169 = vector.broadcast %le3A_168 : f32 to vector<16xf32>
      %le3A_170 = arith.cmpf ole, %add3A_74, %le3A_169 : vector<16xf32>
      %jit3A_171 = arith.constant 1.280000e+02 : f32
      %broadcast_in_dim3A_172 = vector.broadcast %jit3A_171 : f32 to vector<16xf32>
      %select_n3A_173 = arith.select %le3A_170, %broadcast_in_dim3A_172, %select_n3A_167 : vector<16xi1>, vector<16xf32>
      %le3A_174 = arith.constant 3.05175781E-5 : f32
      %le3A_175 = vector.broadcast %le3A_174 : f32 to vector<16xf32>
      %le3A_176 = arith.cmpf ole, %add3A_74, %le3A_175 : vector<16xf32>
      %jit3A_177 = arith.constant 2.560000e+02 : f32
      %broadcast_in_dim3A_178 = vector.broadcast %jit3A_177 : f32 to vector<16xf32>
      %select_n3A_179 = arith.select %le3A_176, %broadcast_in_dim3A_178, %select_n3A_173 : vector<16xi1>, vector<16xf32>
      %le3A_180 = arith.constant 7.62939453E-6 : f32
      %le3A_181 = vector.broadcast %le3A_180 : f32 to vector<16xf32>
      %le3A_182 = arith.cmpf ole, %add3A_74, %le3A_181 : vector<16xf32>
      %jit3A_183 = arith.constant 5.120000e+02 : f32
      %broadcast_in_dim3A_184 = vector.broadcast %jit3A_183 : f32 to vector<16xf32>
      %select_n3A_185 = arith.select %le3A_182, %broadcast_in_dim3A_184, %select_n3A_179 : vector<16xi1>, vector<16xf32>
      %le3A_186 = arith.constant 1.90734863E-6 : f32
      %le3A_187 = vector.broadcast %le3A_186 : f32 to vector<16xf32>
      %le3A_188 = arith.cmpf ole, %add3A_74, %le3A_187 : vector<16xf32>
      %jit3A_189 = arith.constant 1.024000e+03 : f32
      %broadcast_in_dim3A_190 = vector.broadcast %jit3A_189 : f32 to vector<16xf32>
      %select_n3A_191 = arith.select %le3A_188, %broadcast_in_dim3A_190, %select_n3A_185 : vector<16xi1>, vector<16xf32>
      %mul3A_192 = arith.constant 5.000000e-01 : f32
      %mul3A_193 = vector.broadcast %mul3A_192 : f32 to vector<16xf32>
      %mul3A_194 = arith.mulf %mul3A_193, %add3A_74 : vector<16xf32>
      %mul3A_195 = arith.mulf %mul3A_194, %select_n3A_191 : vector<16xf32>
      %mul3A_196 = arith.mulf %mul3A_195, %select_n3A_191 : vector<16xf32>
      %sub3A_197 = arith.constant 1.500000e+00 : f32
      %sub3A_198 = vector.broadcast %sub3A_197 : f32 to vector<16xf32>
      %sub3A_199 = arith.subf %sub3A_198, %mul3A_196 : vector<16xf32>
      %mul3A_200 = arith.mulf %select_n3A_191, %sub3A_199 : vector<16xf32>
      %mul3A_201 = arith.constant 5.000000e-01 : f32
      %mul3A_202 = vector.broadcast %mul3A_201 : f32 to vector<16xf32>
      %mul3A_203 = arith.mulf %mul3A_202, %add3A_74 : vector<16xf32>
      %mul3A_204 = arith.mulf %mul3A_203, %mul3A_200 : vector<16xf32>
      %mul3A_205 = arith.mulf %mul3A_204, %mul3A_200 : vector<16xf32>
      %sub3A_206 = arith.constant 1.500000e+00 : f32
      %sub3A_207 = vector.broadcast %sub3A_206 : f32 to vector<16xf32>
      %sub3A_208 = arith.subf %sub3A_207, %mul3A_205 : vector<16xf32>
      %mul3A_209 = arith.mulf %mul3A_200, %sub3A_208 : vector<16xf32>
      %mul3A_210 = arith.constant 5.000000e-01 : f32
      %mul3A_211 = vector.broadcast %mul3A_210 : f32 to vector<16xf32>
      %mul3A_212 = arith.mulf %mul3A_211, %add3A_74 : vector<16xf32>
      %mul3A_213 = arith.mulf %mul3A_212, %mul3A_209 : vector<16xf32>
      %mul3A_214 = arith.mulf %mul3A_213, %mul3A_209 : vector<16xf32>
      %sub3A_215 = arith.constant 1.500000e+00 : f32
      %sub3A_216 = vector.broadcast %sub3A_215 : f32 to vector<16xf32>
      %sub3A_217 = arith.subf %sub3A_216, %mul3A_214 : vector<16xf32>
      %mul3A_218 = arith.mulf %mul3A_209, %sub3A_217 : vector<16xf32>
      %mul3A_219 = arith.constant 5.000000e-01 : f32
      %mul3A_220 = vector.broadcast %mul3A_219 : f32 to vector<16xf32>
      %mul3A_221 = arith.mulf %mul3A_220, %add3A_74 : vector<16xf32>
      %mul3A_222 = arith.mulf %mul3A_221, %mul3A_218 : vector<16xf32>
      %mul3A_223 = arith.mulf %mul3A_222, %mul3A_218 : vector<16xf32>
      %sub3A_224 = arith.constant 1.500000e+00 : f32
      %sub3A_225 = vector.broadcast %sub3A_224 : f32 to vector<16xf32>
      %sub3A_226 = arith.subf %sub3A_225, %mul3A_223 : vector<16xf32>
      %mul3A_227 = arith.mulf %mul3A_218, %sub3A_226 : vector<16xf32>
      %mul3A_228 = arith.constant 5.000000e-01 : f32
      %mul3A_229 = vector.broadcast %mul3A_228 : f32 to vector<16xf32>
      %mul3A_230 = arith.mulf %mul3A_229, %add3A_74 : vector<16xf32>
      %mul3A_231 = arith.mulf %mul3A_230, %mul3A_227 : vector<16xf32>
      %mul3A_232 = arith.mulf %mul3A_231, %mul3A_227 : vector<16xf32>
      %sub3A_233 = arith.constant 1.500000e+00 : f32
      %sub3A_234 = vector.broadcast %sub3A_233 : f32 to vector<16xf32>
      %sub3A_235 = arith.subf %sub3A_234, %mul3A_232 : vector<16xf32>
      %mul3A_236 = arith.mulf %mul3A_227, %sub3A_235 : vector<16xf32>
      %mul3A_237 = arith.constant 5.000000e-01 : f32
      %mul3A_238 = vector.broadcast %mul3A_237 : f32 to vector<16xf32>
      %mul3A_239 = arith.mulf %mul3A_238, %add3A_74 : vector<16xf32>
      %mul3A_240 = arith.mulf %mul3A_239, %mul3A_236 : vector<16xf32>
      %mul3A_241 = arith.mulf %mul3A_240, %mul3A_236 : vector<16xf32>
      %sub3A_242 = arith.constant 1.500000e+00 : f32
      %sub3A_243 = vector.broadcast %sub3A_242 : f32 to vector<16xf32>
      %sub3A_244 = arith.subf %sub3A_243, %mul3A_241 : vector<16xf32>
      %mul3A_245 = arith.mulf %mul3A_236, %sub3A_244 : vector<16xf32>
      %get3A_246 = arith.index_cast %scan3A_65 : i32 to index
      %get3A_247 = arith.constant 0 : index
      %get3A_248 = tpu.vector_load %arg11[%get3A_246, %get3A_247] {strides = array<i32>} : memref<632x16xf32, #tpu.memory_space<vmem>>, vector<16xf32>,
      %mul3A_249 = arith.constant 0.899999976 : f32
      %mul3A_250 = vector.broadcast %mul3A_249 : f32 to vector<16xf32>
      %mul3A_251 = arith.mulf %mul3A_250, %mul3A_245 : vector<16xf32>
      %mul3A_252 = arith.mulf %mul3A_251, %mul3A_245 : vector<16xf32>
      %swap3A = arith.index_cast %scan3A_65 : i32 to index
      %swap3A_253 = arith.constant 0 : index
      %swap3A_254 = tpu.vector_load %arg9[%swap3A, %swap3A_253] {strides = array<i32>} : memref<632x16xf32, #tpu.memory_space<vmem>>, vector<16xf32>,
      tpu.vector_store %arg9[%swap3A, %swap3A_253], %mul3A_252 {strides = array<i32>} : memref<632x16xf32, #tpu.memory_space<vmem>>, vector<16xf32>,
      %mul3A_255 = arith.constant 1.000000e-01 : f32
      %mul3A_256 = vector.broadcast %mul3A_255 : f32 to vector<16xf32>
      %mul3A_257 = arith.mulf %mul3A_256, %mul3A_245 : vector<16xf32>
      %mul3A_258 = arith.mulf %mul3A_257, %get3A_248 : vector<16xf32>
      %swap3A_259 = arith.index_cast %scan3A_65 : i32 to index
      %swap3A_260 = arith.constant 0 : index
      %swap3A_261 = tpu.vector_load %arg10[%swap3A_259, %swap3A_260] {strides = array<i32>} : memref<632x16xf32, #tpu.memory_space<vmem>>, vector<16xf32>,
      tpu.vector_store %arg10[%swap3A_259, %swap3A_260], %mul3A_258 {strides = array<i32>} : memref<632x16xf32, #tpu.memory_space<vmem>>, vector<16xf32>,
      %mul3A_262 = arith.mulf %mul3A_245, %get3A_248 : vector<16xf32>
      %swap3A_263 = arith.index_cast %scan3A_65 : i32 to index
      %swap3A_264 = arith.constant 0 : index
      %swap3A_265 = tpu.vector_load %arg11[%swap3A_263, %swap3A_264] {strides = array<i32>} : memref<632x16xf32, #tpu.memory_space<vmem>>, vector<16xf32>,
      tpu.vector_store %arg11[%swap3A_263, %swap3A_264], %mul3A_262 {strides = array<i32>} : memref<632x16xf32, #tpu.memory_space<vmem>>, vector<16xf32>,
      %scan3A_266 = arith.constant 0 : i32
      scf.yield %scan3A_266 : i32
    }
    %scan3A_45 = arith.constant 632 : i32
    "tpu.region"() ({
      %run_scoped3A_65 = tpu.sem_alloc : memref<!tpu.dma_semaphore, #tpu.memory_space<semaphore_mem>>
      %dma_start3A_66 = arith.constant 0 : i32
      %dma_start3A_67 = tpu.memref_slice %arg7[%mul3A_0, %dma_start3A_66] : memref<10112x16xf32, #tpu.memory_space<vmem_shared>> -> memref<632x16xf32, #tpu.memory_space<vmem_shared>>
      %dma_start3A_68 = arith.constant 0 : i32
      %dma_start3A_69 = tpu.memref_slice %arg7[%mul3A_0, %dma_start3A_68] : memref<10112x16xf32, #tpu.memory_space<vmem_shared>> -> memref<632x16xf32, #tpu.memory_space<vmem_shared>>
      tpu.enqueue_dma source(%arg11 : memref<632x16xf32, #tpu.memory_space<vmem>>) target(%dma_start3A_69 : memref<632x16xf32, #tpu.memory_space<vmem_shared>>) target_semaphore(%run_scoped3A_65 : memref<!tpu.dma_semaphore, #tpu.memory_space<semaphore_mem>>)
      %dma_wait3A_70 = arith.constant 0 : i32
      %dma_wait3A_71 = tpu.memref_slice %arg7[%mul3A_0, %dma_wait3A_70] : memref<10112x16xf32, #tpu.memory_space<vmem_shared>> -> memref<632x16xf32, #tpu.memory_space<vmem_shared>>
      %dma_wait3A_72 = arith.constant 0 : i32
      %dma_wait3A_73 = tpu.memref_slice %arg7[%mul3A_0, %dma_wait3A_72] : memref<10112x16xf32, #tpu.memory_space<vmem_shared>> -> memref<632x16xf32, #tpu.memory_space<vmem_shared>>
      tpu.wait_dma2 semaphore(%run_scoped3A_65 : memref<!tpu.dma_semaphore, #tpu.memory_space<semaphore_mem>>) src(%arg11 : memref<632x16xf32, #tpu.memory_space<vmem>>) dst(%dma_wait3A_73 : memref<632x16xf32, #tpu.memory_space<vmem_shared>>)
      tpu.yield
    }) : () -> ()
    %barrier3A_46 = arith.constant 0 : index
    tpu.barrier barrier_id(%barrier3A_46)
    %scan3A_47 = arith.constant 0 : i32
    %scan3A_48 = arith.constant 0 : i32
    %scan3A_49 = arith.constant 10 : i32
    %scan3A_50 = arith.addi %scan3A_48, %scan3A_49 : i32
    %scan3A_51 = arith.constant 1 : i32
    scf.for %scan3A_65 = %scan3A_48 to %scan3A_50 step %scan3A_51  : i32 {
      %dma_start3A_66 = arith.constant 0 : i32
      %dma_start3A_67 = arith.constant 0 : i32
      %dma_start3A_68 = tpu.memref_slice %arg15[%dma_start3A_66, %dma_start3A_67] : memref<40x256xi32, #tpu.memory_space<vmem>> -> memref<1x256xi32, #tpu.memory_space<vmem>>
      %dma_start3A_69 = tpu.memref_squeeze %dma_start3A_68 : memref<1x256xi32, #tpu.memory_space<vmem>> -> memref<256xi32, #tpu.memory_space<vmem>>
      %dma_start3A_70 = arith.constant 0 : i32
      %dma_start3A_71 = arith.constant 0 : i32
      %dma_start3A_72 = tpu.memref_slice %arg7[%dma_start3A_70, %dma_start3A_71] : memref<10112x16xf32, #tpu.memory_space<vmem_shared>> -> memref<10112x16xf32, #tpu.memory_space<vmem_shared>>
      tpu.enqueue_indirect_dma source(%dma_start3A_72 : memref<10112x16xf32, #tpu.memory_space<vmem_shared>>) target(%arg17 : memref<256x16xf32, #tpu.memory_space<vmem>>) offsets(%dma_start3A_69 : memref<256xi32, #tpu.memory_space<vmem>>) semaphore(%arg19 : memref<!tpu.dma_semaphore, #tpu.memory_space<semaphore_mem>>)
      %scan3A_73 = arith.constant 0 : i32
      %scan3A_74 = arith.constant 0 : i32
      %scan3A_75 = arith.constant 20 : i32
      %scan3A_76 = arith.addi %scan3A_74, %scan3A_75 : i32
      %scan3A_77 = arith.constant 1 : i32
      scf.for %scan3A_109 = %scan3A_74 to %scan3A_76 step %scan3A_77  : i32 {
        %mul3A_110 = arith.constant 2 : i32
        %mul3A_111 = arith.muli %mul3A_110, %scan3A_109 : i32
        %add3A = arith.constant 1 : i32
        %add3A_112 = arith.addi %mul3A_111, %add3A : i32
        %dma_wait3A_113 = arith.constant 0 : i32
        %dma_wait3A_114 = tpu.memref_slice %arg15[%mul3A_111, %dma_wait3A_113] : memref<40x256xi32, #tpu.memory_space<vmem>> -> memref<1x256xi32, #tpu.memory_space<vmem>>
        %dma_wait3A_115 = tpu.memref_squeeze %dma_wait3A_114 : memref<1x256xi32, #tpu.memory_space<vmem>> -> memref<256xi32, #tpu.memory_space<vmem>>
        %dma_wait3A_116 = arith.constant 0 : i32
        %dma_wait3A_117 = arith.constant 0 : i32
        %dma_wait3A_118 = tpu.memref_slice %arg7[%dma_wait3A_116, %dma_wait3A_117] : memref<10112x16xf32, #tpu.memory_space<vmem_shared>> -> memref<10112x16xf32, #tpu.memory_space<vmem_shared>>
        tpu.wait_indirect_dma semaphore(%arg19 : memref<!tpu.dma_semaphore, #tpu.memory_space<semaphore_mem>>) src(%dma_wait3A_118 : memref<10112x16xf32, #tpu.memory_space<vmem_shared>>) dst(%arg17 : memref<256x16xf32, #tpu.memory_space<vmem>>)
        %dma_start3A_119 = arith.constant 0 : i32
        %dma_start3A_120 = tpu.memref_slice %arg15[%add3A_112, %dma_start3A_119] : memref<40x256xi32, #tpu.memory_space<vmem>> -> memref<1x256xi32, #tpu.memory_space<vmem>>
        %dma_start3A_121 = tpu.memref_squeeze %dma_start3A_120 : memref<1x256xi32, #tpu.memory_space<vmem>> -> memref<256xi32, #tpu.memory_space<vmem>>
        %dma_start3A_122 = arith.constant 0 : i32
        %dma_start3A_123 = arith.constant 0 : i32
        %dma_start3A_124 = tpu.memref_slice %arg7[%dma_start3A_122, %dma_start3A_123] : memref<10112x16xf32, #tpu.memory_space<vmem_shared>> -> memref<10112x16xf32, #tpu.memory_space<vmem_shared>>
        tpu.enqueue_indirect_dma source(%dma_start3A_124 : memref<10112x16xf32, #tpu.memory_space<vmem_shared>>) target(%arg18 : memref<256x16xf32, #tpu.memory_space<vmem>>) offsets(%dma_start3A_121 : memref<256xi32, #tpu.memory_space<vmem>>) semaphore(%arg19 : memref<!tpu.dma_semaphore, #tpu.memory_space<semaphore_mem>>)
        %dma_start3A_125 = arith.constant 0 : i32
        %dma_start3A_126 = tpu.memref_slice %arg16[%mul3A_111, %dma_start3A_125] : memref<40x256xi32, #tpu.memory_space<vmem>> -> memref<1x256xi32, #tpu.memory_space<vmem>>
        %dma_start3A_127 = tpu.memref_squeeze %dma_start3A_126 : memref<1x256xi32, #tpu.memory_space<vmem>> -> memref<256xi32, #tpu.memory_space<vmem>>
        %dma_start3A_128 = arith.constant 0 : i32
        %dma_start3A_129 = arith.constant 0 : i32
        %dma_start3A_130 = tpu.memref_slice %arg8[%dma_start3A_128, %dma_start3A_129] : memref<10112x16xf32, #tpu.memory_space<vmem_shared>> -> memref<10112x16xf32, #tpu.memory_space<vmem_shared>>
        tpu.enqueue_indirect_dma source(%arg17 : memref<256x16xf32, #tpu.memory_space<vmem>>) target(%dma_start3A_130 : memref<10112x16xf32, #tpu.memory_space<vmem_shared>>) offsets(%dma_start3A_127 : memref<256xi32, #tpu.memory_space<vmem>>) semaphore(%arg20 : memref<!tpu.dma_semaphore, #tpu.memory_space<semaphore_mem>>) {add = true}
        %dma_wait3A_131 = arith.constant 0 : i32
        %dma_wait3A_132 = tpu.memref_slice %arg15[%add3A_112, %dma_wait3A_131] : memref<40x256xi32, #tpu.memory_space<vmem>> -> memref<1x256xi32, #tpu.memory_space<vmem>>
        %dma_wait3A_133 = tpu.memref_squeeze %dma_wait3A_132 : memref<1x256xi32, #tpu.memory_space<vmem>> -> memref<256xi32, #tpu.memory_space<vmem>>
        %dma_wait3A_134 = arith.constant 0 : i32
        %dma_wait3A_135 = arith.constant 0 : i32
        %dma_wait3A_136 = tpu.memref_slice %arg7[%dma_wait3A_134, %dma_wait3A_135] : memref<10112x16xf32, #tpu.memory_space<vmem_shared>> -> memref<10112x16xf32, #tpu.memory_space<vmem_shared>>
        tpu.wait_indirect_dma semaphore(%arg19 : memref<!tpu.dma_semaphore, #tpu.memory_space<semaphore_mem>>) src(%dma_wait3A_136 : memref<10112x16xf32, #tpu.memory_space<vmem_shared>>) dst(%arg18 : memref<256x16xf32, #tpu.memory_space<vmem>>)
        %dma_wait3A_137 = arith.constant 0 : i32
        %dma_wait3A_138 = tpu.memref_slice %arg16[%mul3A_111, %dma_wait3A_137] : memref<40x256xi32, #tpu.memory_space<vmem>> -> memref<1x256xi32, #tpu.memory_space<vmem>>
        %dma_wait3A_139 = tpu.memref_squeeze %dma_wait3A_138 : memref<1x256xi32, #tpu.memory_space<vmem>> -> memref<256xi32, #tpu.memory_space<vmem>>
        %dma_wait3A_140 = arith.constant 0 : i32
        %dma_wait3A_141 = arith.constant 0 : i32
        %dma_wait3A_142 = tpu.memref_slice %arg8[%dma_wait3A_140, %dma_wait3A_141] : memref<10112x16xf32, #tpu.memory_space<vmem_shared>> -> memref<10112x16xf32, #tpu.memory_space<vmem_shared>>
        tpu.wait_indirect_dma semaphore(%arg20 : memref<!tpu.dma_semaphore, #tpu.memory_space<semaphore_mem>>) src(%arg17 : memref<256x16xf32, #tpu.memory_space<vmem>>) dst(%dma_wait3A_142 : memref<10112x16xf32, #tpu.memory_space<vmem_shared>>)
        %lt3A = arith.constant 19 : i32
        %lt3A_143 = arith.cmpi slt, %scan3A_109, %lt3A : i32
        %convert_element_type3A_144 = arith.extui %lt3A_143 : i1 to i32
        %cond3A_145 = arith.constant 0 : i32
        %cond3A_146 = arith.cmpi ne, %convert_element_type3A_144, %cond3A_145 : i32
        scf.if %cond3A_146 {
          %add3A_159 = arith.constant 2 : i32
          %add3A_160 = arith.addi %mul3A_111, %add3A_159 : i32
          %dma_start3A_161 = arith.constant 0 : i32
          %dma_start3A_162 = tpu.memref_slice %arg15[%add3A_160, %dma_start3A_161] : memref<40x256xi32, #tpu.memory_space<vmem>> -> memref<1x256xi32, #tpu.memory_space<vmem>>
          %dma_start3A_163 = tpu.memref_squeeze %dma_start3A_162 : memref<1x256xi32, #tpu.memory_space<vmem>> -> memref<256xi32, #tpu.memory_space<vmem>>
          %dma_start3A_164 = arith.constant 0 : i32
          %dma_start3A_165 = arith.constant 0 : i32
          %dma_start3A_166 = tpu.memref_slice %arg7[%dma_start3A_164, %dma_start3A_165] : memref<10112x16xf32, #tpu.memory_space<vmem_shared>> -> memref<10112x16xf32, #tpu.memory_space<vmem_shared>>
          tpu.enqueue_indirect_dma source(%dma_start3A_166 : memref<10112x16xf32, #tpu.memory_space<vmem_shared>>) target(%arg17 : memref<256x16xf32, #tpu.memory_space<vmem>>) offsets(%dma_start3A_163 : memref<256xi32, #tpu.memory_space<vmem>>) semaphore(%arg19 : memref<!tpu.dma_semaphore, #tpu.memory_space<semaphore_mem>>)
        } else {
        }
        %dma_start3A_147 = arith.constant 0 : i32
        %dma_start3A_148 = tpu.memref_slice %arg16[%add3A_112, %dma_start3A_147] : memref<40x256xi32, #tpu.memory_space<vmem>> -> memref<1x256xi32, #tpu.memory_space<vmem>>
        %dma_start3A_149 = tpu.memref_squeeze %dma_start3A_148 : memref<1x256xi32, #tpu.memory_space<vmem>> -> memref<256xi32, #tpu.memory_space<vmem>>
        %dma_start3A_150 = arith.constant 0 : i32
        %dma_start3A_151 = arith.constant 0 : i32
        %dma_start3A_152 = tpu.memref_slice %arg8[%dma_start3A_150, %dma_start3A_151] : memref<10112x16xf32, #tpu.memory_space<vmem_shared>> -> memref<10112x16xf32, #tpu.memory_space<vmem_shared>>
        tpu.enqueue_indirect_dma source(%arg18 : memref<256x16xf32, #tpu.memory_space<vmem>>) target(%dma_start3A_152 : memref<10112x16xf32, #tpu.memory_space<vmem_shared>>) offsets(%dma_start3A_149 : memref<256xi32, #tpu.memory_space<vmem>>) semaphore(%arg20 : memref<!tpu.dma_semaphore, #tpu.memory_space<semaphore_mem>>) {add = true}
        %dma_wait3A_153 = arith.constant 0 : i32
        %dma_wait3A_154 = tpu.memref_slice %arg16[%add3A_112, %dma_wait3A_153] : memref<40x256xi32, #tpu.memory_space<vmem>> -> memref<1x256xi32, #tpu.memory_space<vmem>>
        %dma_wait3A_155 = tpu.memref_squeeze %dma_wait3A_154 : memref<1x256xi32, #tpu.memory_space<vmem>> -> memref<256xi32, #tpu.memory_space<vmem>>
        %dma_wait3A_156 = arith.constant 0 : i32
        %dma_wait3A_157 = arith.constant 0 : i32
        %dma_wait3A_158 = tpu.memref_slice %arg8[%dma_wait3A_156, %dma_wait3A_157] : memref<10112x16xf32, #tpu.memory_space<vmem_shared>> -> memref<10112x16xf32, #tpu.memory_space<vmem_shared>>
        tpu.wait_indirect_dma semaphore(%arg20 : memref<!tpu.dma_semaphore, #tpu.memory_space<semaphore_mem>>) src(%arg18 : memref<256x16xf32, #tpu.memory_space<vmem>>) dst(%dma_wait3A_158 : memref<10112x16xf32, #tpu.memory_space<vmem_shared>>)
      }
      %scan3A_78 = arith.constant 20 : i32
      %barrier3A_79 = arith.constant 0 : index
      tpu.barrier barrier_id(%barrier3A_79)
      %and3A = arith.constant 1 : i32
      %and3A_80 = arith.andi %scan3A_65, %and3A : i32
      "tpu.region"() ({
        %run_scoped3A_109 = tpu.sem_alloc : memref<!tpu.dma_semaphore, #tpu.memory_space<semaphore_mem>>
        %dma_start3A_110 = arith.constant 0 : i32
        %dma_start3A_111 = tpu.memref_slice %arg8[%mul3A_0, %dma_start3A_110] : memref<10112x16xf32, #tpu.memory_space<vmem_shared>> -> memref<632x16xf32, #tpu.memory_space<vmem_shared>>
        %dma_start3A_112 = arith.constant 0 : i32
        %dma_start3A_113 = tpu.memref_slice %arg8[%mul3A_0, %dma_start3A_112] : memref<10112x16xf32, #tpu.memory_space<vmem_shared>> -> memref<632x16xf32, #tpu.memory_space<vmem_shared>>
        tpu.enqueue_dma source(%dma_start3A_113 : memref<632x16xf32, #tpu.memory_space<vmem_shared>>) target(%arg12 : memref<632x16xf32, #tpu.memory_space<vmem>>) target_semaphore(%run_scoped3A_109 : memref<!tpu.dma_semaphore, #tpu.memory_space<semaphore_mem>>)
        %dma_wait3A_114 = arith.constant 0 : i32
        %dma_wait3A_115 = tpu.memref_slice %arg8[%mul3A_0, %dma_wait3A_114] : memref<10112x16xf32, #tpu.memory_space<vmem_shared>> -> memref<632x16xf32, #tpu.memory_space<vmem_shared>>
        %dma_wait3A_116 = arith.constant 0 : i32
        %dma_wait3A_117 = tpu.memref_slice %arg8[%mul3A_0, %dma_wait3A_116] : memref<10112x16xf32, #tpu.memory_space<vmem_shared>> -> memref<632x16xf32, #tpu.memory_space<vmem_shared>>
        tpu.wait_dma2 semaphore(%run_scoped3A_109 : memref<!tpu.dma_semaphore, #tpu.memory_space<semaphore_mem>>) src(%dma_wait3A_117 : memref<632x16xf32, #tpu.memory_space<vmem_shared>>) dst(%arg12 : memref<632x16xf32, #tpu.memory_space<vmem>>)
        tpu.yield
      }) : () -> ()
      %dma_start3A_81 = arith.constant 0 : i32
      %dma_start3A_82 = tpu.memref_slice %arg6[%and3A_80, %arg0, %mul3A_0, %dma_start3A_81] : memref<2x2x10112x16xf32, #tpu.memory_space<hbm>> -> memref<1x1x632x16xf32, #tpu.memory_space<hbm>>
      %dma_start3A_83 = tpu.memref_squeeze %dma_start3A_82 : memref<1x1x632x16xf32, #tpu.memory_space<hbm>> -> memref<632x16xf32, #tpu.memory_space<hbm>>
      %dma_start3A_84 = arith.constant 0 : i32
      %dma_start3A_85 = tpu.memref_slice %arg6[%and3A_80, %arg0, %mul3A_0, %dma_start3A_84] : memref<2x2x10112x16xf32, #tpu.memory_space<hbm>> -> memref<1x1x632x16xf32, #tpu.memory_space<hbm>>
      %dma_start3A_86 = tpu.memref_squeeze %dma_start3A_85 : memref<1x1x632x16xf32, #tpu.memory_space<hbm>> -> memref<632x16xf32, #tpu.memory_space<hbm>>
      tpu.enqueue_dma source(%arg12 : memref<632x16xf32, #tpu.memory_space<vmem>>) target(%dma_start3A_86 : memref<632x16xf32, #tpu.memory_space<hbm>>) target_semaphore(%arg22 : memref<!tpu.dma_semaphore, #tpu.memory_space<semaphore_mem>>)
      "tpu.region"() ({
        %run_scoped3A_109 = tpu.sem_alloc : memref<!tpu.dma_semaphore, #tpu.memory_space<semaphore_mem>>
        %dma_start3A_110 = arith.constant 0 : i32
        %dma_start3A_111 = tpu.memref_slice %arg8[%mul3A_0, %dma_start3A_110] : memref<10112x16xf32, #tpu.memory_space<vmem_shared>> -> memref<632x16xf32, #tpu.memory_space<vmem_shared>>
        %dma_start3A_112 = arith.constant 0 : i32
        %dma_start3A_113 = tpu.memref_slice %arg8[%mul3A_0, %dma_start3A_112] : memref<10112x16xf32, #tpu.memory_space<vmem_shared>> -> memref<632x16xf32, #tpu.memory_space<vmem_shared>>
        tpu.enqueue_dma source(%arg14 : memref<632x16xf32, #tpu.memory_space<vmem>>) target(%dma_start3A_113 : memref<632x16xf32, #tpu.memory_space<vmem_shared>>) target_semaphore(%run_scoped3A_109 : memref<!tpu.dma_semaphore, #tpu.memory_space<semaphore_mem>>)
        %dma_wait3A_114 = arith.constant 0 : i32
        %dma_wait3A_115 = tpu.memref_slice %arg8[%mul3A_0, %dma_wait3A_114] : memref<10112x16xf32, #tpu.memory_space<vmem_shared>> -> memref<632x16xf32, #tpu.memory_space<vmem_shared>>
        %dma_wait3A_116 = arith.constant 0 : i32
        %dma_wait3A_117 = tpu.memref_slice %arg8[%mul3A_0, %dma_wait3A_116] : memref<10112x16xf32, #tpu.memory_space<vmem_shared>> -> memref<632x16xf32, #tpu.memory_space<vmem_shared>>
        tpu.wait_dma2 semaphore(%run_scoped3A_109 : memref<!tpu.dma_semaphore, #tpu.memory_space<semaphore_mem>>) src(%arg14 : memref<632x16xf32, #tpu.memory_space<vmem>>) dst(%dma_wait3A_117 : memref<632x16xf32, #tpu.memory_space<vmem_shared>>)
        tpu.yield
      }) : () -> ()
      %dma_wait3A_87 = arith.constant 0 : i32
      %dma_wait3A_88 = tpu.memref_slice %arg6[%and3A_80, %arg0, %mul3A_0, %dma_wait3A_87] : memref<2x2x10112x16xf32, #tpu.memory_space<hbm>> -> memref<1x1x632x16xf32, #tpu.memory_space<hbm>>
      %dma_wait3A_89 = tpu.memref_squeeze %dma_wait3A_88 : memref<1x1x632x16xf32, #tpu.memory_space<hbm>> -> memref<632x16xf32, #tpu.memory_space<hbm>>
      %dma_wait3A_90 = arith.constant 0 : i32
      %dma_wait3A_91 = tpu.memref_slice %arg6[%and3A_80, %arg0, %mul3A_0, %dma_wait3A_90] : memref<2x2x10112x16xf32, #tpu.memory_space<hbm>> -> memref<1x1x632x16xf32, #tpu.memory_space<hbm>>
      %dma_wait3A_92 = tpu.memref_squeeze %dma_wait3A_91 : memref<1x1x632x16xf32, #tpu.memory_space<hbm>> -> memref<632x16xf32, #tpu.memory_space<hbm>>
      tpu.wait_dma2 semaphore(%arg22 : memref<!tpu.dma_semaphore, #tpu.memory_space<semaphore_mem>>) src(%arg12 : memref<632x16xf32, #tpu.memory_space<vmem>>) dst(%dma_wait3A_92 : memref<632x16xf32, #tpu.memory_space<hbm>>)
      %barrier3A_93 = arith.constant 0 : index
      tpu.barrier barrier_id(%barrier3A_93)
      %eq3A_94 = arith.constant 0 : i32
      %eq3A_95 = arith.cmpi eq, %arg1, %eq3A_94 : i32
      %convert_element_type3A_96 = arith.extui %eq3A_95 : i1 to i32
      %cond3A_97 = arith.constant 0 : i32
      %cond3A_98 = arith.cmpi ne, %convert_element_type3A_96, %cond3A_97 : i32
      scf.if %cond3A_98 {
        %sub3A_109 = arith.constant 1 : i32
        %sub3A_110 = arith.subi %sub3A_109, %arg0 : i32
        %semaphore_signal3A = arith.constant 1 : i32
        tpu.sem_signal %arg21, %semaphore_signal3A core_id %sub3A_110 : memref<!tpu.semaphore, #tpu.memory_space<semaphore_mem>>
        %semaphore_wait3A = arith.constant 1 : i32
        %semaphore_wait3A_111 = arith.constant true
        tpu.sem_wait %arg21, %semaphore_wait3A : memref<!tpu.semaphore, #tpu.memory_space<semaphore_mem>>
      } else {
      }
      %barrier3A_99 = arith.constant 0 : index
      tpu.barrier barrier_id(%barrier3A_99)
      %sub3A_100 = arith.constant 1 : i32
      %sub3A_101 = arith.subi %sub3A_100, %arg0 : i32
      "tpu.region"() ({
        %run_scoped3A_109 = tpu.sem_alloc : memref<!tpu.dma_semaphore, #tpu.memory_space<semaphore_mem>>
        %dma_start3A_110 = arith.constant 0 : i32
        %dma_start3A_111 = tpu.memref_slice %arg6[%and3A_80, %sub3A_101, %mul3A_0, %dma_start3A_110] : memref<2x2x10112x16xf32, #tpu.memory_space<hbm>> -> memref<1x1x632x16xf32, #tpu.memory_space<hbm>>
        %dma_start3A_112 = tpu.memref_squeeze %dma_start3A_111 : memref<1x1x632x16xf32, #tpu.memory_space<hbm>> -> memref<632x16xf32, #tpu.memory_space<hbm>>
        %dma_start3A_113 = arith.constant 0 : i32
        %dma_start3A_114 = tpu.memref_slice %arg6[%and3A_80, %sub3A_101, %mul3A_0, %dma_start3A_113] : memref<2x2x10112x16xf32, #tpu.memory_space<hbm>> -> memref<1x1x632x16xf32, #tpu.memory_space<hbm>>
        %dma_start3A_115 = tpu.memref_squeeze %dma_start3A_114 : memref<1x1x632x16xf32, #tpu.memory_space<hbm>> -> memref<632x16xf32, #tpu.memory_space<hbm>>
        tpu.enqueue_dma source(%dma_start3A_115 : memref<632x16xf32, #tpu.memory_space<hbm>>) target(%arg13 : memref<632x16xf32, #tpu.memory_space<vmem>>) target_semaphore(%run_scoped3A_109 : memref<!tpu.dma_semaphore, #tpu.memory_space<semaphore_mem>>)
        %dma_wait3A_116 = arith.constant 0 : i32
        %dma_wait3A_117 = tpu.memref_slice %arg6[%and3A_80, %sub3A_101, %mul3A_0, %dma_wait3A_116] : memref<2x2x10112x16xf32, #tpu.memory_space<hbm>> -> memref<1x1x632x16xf32, #tpu.memory_space<hbm>>
        %dma_wait3A_118 = tpu.memref_squeeze %dma_wait3A_117 : memref<1x1x632x16xf32, #tpu.memory_space<hbm>> -> memref<632x16xf32, #tpu.memory_space<hbm>>
        %dma_wait3A_119 = arith.constant 0 : i32
        %dma_wait3A_120 = tpu.memref_slice %arg6[%and3A_80, %sub3A_101, %mul3A_0, %dma_wait3A_119] : memref<2x2x10112x16xf32, #tpu.memory_space<hbm>> -> memref<1x1x632x16xf32, #tpu.memory_space<hbm>>
        %dma_wait3A_121 = tpu.memref_squeeze %dma_wait3A_120 : memref<1x1x632x16xf32, #tpu.memory_space<hbm>> -> memref<632x16xf32, #tpu.memory_space<hbm>>
        tpu.wait_dma2 semaphore(%run_scoped3A_109 : memref<!tpu.dma_semaphore, #tpu.memory_space<semaphore_mem>>) src(%dma_wait3A_121 : memref<632x16xf32, #tpu.memory_space<hbm>>) dst(%arg13 : memref<632x16xf32, #tpu.memory_space<vmem>>)
        tpu.yield
      }) : () -> ()
      %scan3A_102 = arith.constant 0 : i32
      %scan3A_103 = arith.constant 0 : i32
      %scan3A_104 = arith.constant 158 : i32
      %scan3A_105 = arith.addi %scan3A_103, %scan3A_104 : i32
      %scan3A_106 = arith.constant 1 : i32
      scf.for %scan3A_109 = %scan3A_103 to %scan3A_105 step %scan3A_106  : i32 {
        %mul3A_110 = arith.constant 4 : i32
        %mul3A_111 = arith.muli %scan3A_109, %mul3A_110 : i32
        %add3A = arith.constant 0 : i32
        %add3A_112 = arith.addi %mul3A_111, %add3A : i32
        %get3A = arith.index_cast %add3A_112 : i32 to index
        %get3A_113 = arith.constant 0 : index
        %get3A_114 = tpu.vector_load %arg9[%get3A, %get3A_113] {strides = array<i32>} : memref<632x16xf32, #tpu.memory_space<vmem>>, vector<16xf32>,
        %get3A_115 = arith.index_cast %add3A_112 : i32 to index
        %get3A_116 = arith.constant 0 : index
        %get3A_117 = tpu.vector_load %arg12[%get3A_115, %get3A_116] {strides = array<i32>} : memref<632x16xf32, #tpu.memory_space<vmem>>, vector<16xf32>,
        %get3A_118 = arith.index_cast %add3A_112 : i32 to index
        %get3A_119 = arith.constant 0 : index
        %get3A_120 = tpu.vector_load %arg13[%get3A_118, %get3A_119] {strides = array<i32>} : memref<632x16xf32, #tpu.memory_space<vmem>>, vector<16xf32>,
        %add3A_121 = arith.addf %get3A_117, %get3A_120 : vector<16xf32>
        %get3A_122 = arith.index_cast %add3A_112 : i32 to index
        %get3A_123 = arith.constant 0 : index
        %get3A_124 = tpu.vector_load %arg11[%get3A_122, %get3A_123] {strides = array<i32>} : memref<632x16xf32, #tpu.memory_space<vmem>>, vector<16xf32>,
        %add3A_125 = arith.addf %add3A_121, %get3A_124 : vector<16xf32>
        %mul3A_126 = arith.mulf %get3A_114, %add3A_125 : vector<16xf32>
        %get3A_127 = arith.index_cast %add3A_112 : i32 to index
        %get3A_128 = arith.constant 0 : index
        %get3A_129 = tpu.vector_load %arg10[%get3A_127, %get3A_128] {strides = array<i32>} : memref<632x16xf32, #tpu.memory_space<vmem>>, vector<16xf32>,
        %add3A_130 = arith.addf %mul3A_126, %get3A_129 : vector<16xf32>
        %swap3A = arith.index_cast %add3A_112 : i32 to index
        %swap3A_131 = arith.constant 0 : index
        %swap3A_132 = tpu.vector_load %arg11[%swap3A, %swap3A_131] {strides = array<i32>} : memref<632x16xf32, #tpu.memory_space<vmem>>, vector<16xf32>,
        tpu.vector_store %arg11[%swap3A, %swap3A_131], %add3A_130 {strides = array<i32>} : memref<632x16xf32, #tpu.memory_space<vmem>>, vector<16xf32>,
        %mul3A_133 = arith.constant 4 : i32
        %mul3A_134 = arith.muli %scan3A_109, %mul3A_133 : i32
        %add3A_135 = arith.constant 1 : i32
        %add3A_136 = arith.addi %mul3A_134, %add3A_135 : i32
        %get3A_137 = arith.index_cast %add3A_136 : i32 to index
        %get3A_138 = arith.constant 0 : index
        %get3A_139 = tpu.vector_load %arg9[%get3A_137, %get3A_138] {strides = array<i32>} : memref<632x16xf32, #tpu.memory_space<vmem>>, vector<16xf32>,
        %get3A_140 = arith.index_cast %add3A_136 : i32 to index
        %get3A_141 = arith.constant 0 : index
        %get3A_142 = tpu.vector_load %arg12[%get3A_140, %get3A_141] {strides = array<i32>} : memref<632x16xf32, #tpu.memory_space<vmem>>, vector<16xf32>,
        %get3A_143 = arith.index_cast %add3A_136 : i32 to index
        %get3A_144 = arith.constant 0 : index
        %get3A_145 = tpu.vector_load %arg13[%get3A_143, %get3A_144] {strides = array<i32>} : memref<632x16xf32, #tpu.memory_space<vmem>>, vector<16xf32>,
        %add3A_146 = arith.addf %get3A_142, %get3A_145 : vector<16xf32>
        %get3A_147 = arith.index_cast %add3A_136 : i32 to index
        %get3A_148 = arith.constant 0 : index
        %get3A_149 = tpu.vector_load %arg11[%get3A_147, %get3A_148] {strides = array<i32>} : memref<632x16xf32, #tpu.memory_space<vmem>>, vector<16xf32>,
        %add3A_150 = arith.addf %add3A_146, %get3A_149 : vector<16xf32>
        %mul3A_151 = arith.mulf %get3A_139, %add3A_150 : vector<16xf32>
        %get3A_152 = arith.index_cast %add3A_136 : i32 to index
        %get3A_153 = arith.constant 0 : index
        %get3A_154 = tpu.vector_load %arg10[%get3A_152, %get3A_153] {strides = array<i32>} : memref<632x16xf32, #tpu.memory_space<vmem>>, vector<16xf32>,
        %add3A_155 = arith.addf %mul3A_151, %get3A_154 : vector<16xf32>
        %swap3A_156 = arith.index_cast %add3A_136 : i32 to index
        %swap3A_157 = arith.constant 0 : index
        %swap3A_158 = tpu.vector_load %arg11[%swap3A_156, %swap3A_157] {strides = array<i32>} : memref<632x16xf32, #tpu.memory_space<vmem>>, vector<16xf32>,
        tpu.vector_store %arg11[%swap3A_156, %swap3A_157], %add3A_155 {strides = array<i32>} : memref<632x16xf32, #tpu.memory_space<vmem>>, vector<16xf32>,
        %mul3A_159 = arith.constant 4 : i32
        %mul3A_160 = arith.muli %scan3A_109, %mul3A_159 : i32
        %add3A_161 = arith.constant 2 : i32
        %add3A_162 = arith.addi %mul3A_160, %add3A_161 : i32
        %get3A_163 = arith.index_cast %add3A_162 : i32 to index
        %get3A_164 = arith.constant 0 : index
        %get3A_165 = tpu.vector_load %arg9[%get3A_163, %get3A_164] {strides = array<i32>} : memref<632x16xf32, #tpu.memory_space<vmem>>, vector<16xf32>,
        %get3A_166 = arith.index_cast %add3A_162 : i32 to index
        %get3A_167 = arith.constant 0 : index
        %get3A_168 = tpu.vector_load %arg12[%get3A_166, %get3A_167] {strides = array<i32>} : memref<632x16xf32, #tpu.memory_space<vmem>>, vector<16xf32>,
        %get3A_169 = arith.index_cast %add3A_162 : i32 to index
        %get3A_170 = arith.constant 0 : index
        %get3A_171 = tpu.vector_load %arg13[%get3A_169, %get3A_170] {strides = array<i32>} : memref<632x16xf32, #tpu.memory_space<vmem>>, vector<16xf32>,
        %add3A_172 = arith.addf %get3A_168, %get3A_171 : vector<16xf32>
        %get3A_173 = arith.index_cast %add3A_162 : i32 to index
        %get3A_174 = arith.constant 0 : index
        %get3A_175 = tpu.vector_load %arg11[%get3A_173, %get3A_174] {strides = array<i32>} : memref<632x16xf32, #tpu.memory_space<vmem>>, vector<16xf32>,
        %add3A_176 = arith.addf %add3A_172, %get3A_175 : vector<16xf32>
        %mul3A_177 = arith.mulf %get3A_165, %add3A_176 : vector<16xf32>
        %get3A_178 = arith.index_cast %add3A_162 : i32 to index
        %get3A_179 = arith.constant 0 : index
        %get3A_180 = tpu.vector_load %arg10[%get3A_178, %get3A_179] {strides = array<i32>} : memref<632x16xf32, #tpu.memory_space<vmem>>, vector<16xf32>,
        %add3A_181 = arith.addf %mul3A_177, %get3A_180 : vector<16xf32>
        %swap3A_182 = arith.index_cast %add3A_162 : i32 to index
        %swap3A_183 = arith.constant 0 : index
        %swap3A_184 = tpu.vector_load %arg11[%swap3A_182, %swap3A_183] {strides = array<i32>} : memref<632x16xf32, #tpu.memory_space<vmem>>, vector<16xf32>,
        tpu.vector_store %arg11[%swap3A_182, %swap3A_183], %add3A_181 {strides = array<i32>} : memref<632x16xf32, #tpu.memory_space<vmem>>, vector<16xf32>,
        %mul3A_185 = arith.constant 4 : i32
        %mul3A_186 = arith.muli %scan3A_109, %mul3A_185 : i32
        %add3A_187 = arith.constant 3 : i32
        %add3A_188 = arith.addi %mul3A_186, %add3A_187 : i32
        %get3A_189 = arith.index_cast %add3A_188 : i32 to index
        %get3A_190 = arith.constant 0 : index
        %get3A_191 = tpu.vector_load %arg9[%get3A_189, %get3A_190] {strides = array<i32>} : memref<632x16xf32, #tpu.memory_space<vmem>>, vector<16xf32>,
        %get3A_192 = arith.index_cast %add3A_188 : i32 to index
        %get3A_193 = arith.constant 0 : index
        %get3A_194 = tpu.vector_load %arg12[%get3A_192, %get3A_193] {strides = array<i32>} : memref<632x16xf32, #tpu.memory_space<vmem>>, vector<16xf32>,
        %get3A_195 = arith.index_cast %add3A_188 : i32 to index
        %get3A_196 = arith.constant 0 : index
        %get3A_197 = tpu.vector_load %arg13[%get3A_195, %get3A_196] {strides = array<i32>} : memref<632x16xf32, #tpu.memory_space<vmem>>, vector<16xf32>,
        %add3A_198 = arith.addf %get3A_194, %get3A_197 : vector<16xf32>
        %get3A_199 = arith.index_cast %add3A_188 : i32 to index
        %get3A_200 = arith.constant 0 : index
        %get3A_201 = tpu.vector_load %arg11[%get3A_199, %get3A_200] {strides = array<i32>} : memref<632x16xf32, #tpu.memory_space<vmem>>, vector<16xf32>,
        %add3A_202 = arith.addf %add3A_198, %get3A_201 : vector<16xf32>
        %mul3A_203 = arith.mulf %get3A_191, %add3A_202 : vector<16xf32>
        %get3A_204 = arith.index_cast %add3A_188 : i32 to index
        %get3A_205 = arith.constant 0 : index
        %get3A_206 = tpu.vector_load %arg10[%get3A_204, %get3A_205] {strides = array<i32>} : memref<632x16xf32, #tpu.memory_space<vmem>>, vector<16xf32>,
        %add3A_207 = arith.addf %mul3A_203, %get3A_206 : vector<16xf32>
        %swap3A_208 = arith.index_cast %add3A_188 : i32 to index
        %swap3A_209 = arith.constant 0 : index
        %swap3A_210 = tpu.vector_load %arg11[%swap3A_208, %swap3A_209] {strides = array<i32>} : memref<632x16xf32, #tpu.memory_space<vmem>>, vector<16xf32>,
        tpu.vector_store %arg11[%swap3A_208, %swap3A_209], %add3A_207 {strides = array<i32>} : memref<632x16xf32, #tpu.memory_space<vmem>>, vector<16xf32>,
      }
      %scan3A_107 = arith.constant 158 : i32
      "tpu.region"() ({
        %run_scoped3A_109 = tpu.sem_alloc : memref<!tpu.dma_semaphore, #tpu.memory_space<semaphore_mem>>
        %dma_start3A_110 = arith.constant 0 : i32
        %dma_start3A_111 = tpu.memref_slice %arg7[%mul3A_0, %dma_start3A_110] : memref<10112x16xf32, #tpu.memory_space<vmem_shared>> -> memref<632x16xf32, #tpu.memory_space<vmem_shared>>
        %dma_start3A_112 = arith.constant 0 : i32
        %dma_start3A_113 = tpu.memref_slice %arg7[%mul3A_0, %dma_start3A_112] : memref<10112x16xf32, #tpu.memory_space<vmem_shared>> -> memref<632x16xf32, #tpu.memory_space<vmem_shared>>
        tpu.enqueue_dma source(%arg11 : memref<632x16xf32, #tpu.memory_space<vmem>>) target(%dma_start3A_113 : memref<632x16xf32, #tpu.memory_space<vmem_shared>>) target_semaphore(%run_scoped3A_109 : memref<!tpu.dma_semaphore, #tpu.memory_space<semaphore_mem>>)
        %dma_wait3A_114 = arith.constant 0 : i32
        %dma_wait3A_115 = tpu.memref_slice %arg7[%mul3A_0, %dma_wait3A_114] : memref<10112x16xf32, #tpu.memory_space<vmem_shared>> -> memref<632x16xf32, #tpu.memory_space<vmem_shared>>
        %dma_wait3A_116 = arith.constant 0 : i32
        %dma_wait3A_117 = tpu.memref_slice %arg7[%mul3A_0, %dma_wait3A_116] : memref<10112x16xf32, #tpu.memory_space<vmem_shared>> -> memref<632x16xf32, #tpu.memory_space<vmem_shared>>
        tpu.wait_dma2 semaphore(%run_scoped3A_109 : memref<!tpu.dma_semaphore, #tpu.memory_space<semaphore_mem>>) src(%arg11 : memref<632x16xf32, #tpu.memory_space<vmem>>) dst(%dma_wait3A_117 : memref<632x16xf32, #tpu.memory_space<vmem_shared>>)
        tpu.yield
      }) : () -> ()
      %barrier3A_108 = arith.constant 0 : index
      tpu.barrier barrier_id(%barrier3A_108)
    }
    %scan3A_52 = arith.constant 10 : i32
    %scan3A_53 = arith.constant 0 : i32
    %scan3A_54 = arith.constant 0 : i32
    %scan3A_55 = arith.constant 632 : i32
    %scan3A_56 = arith.addi %scan3A_54, %scan3A_55 : i32
    %scan3A_57 = arith.constant 1 : i32
    %scan3A_58 = scf.for %scan3A_65 = %scan3A_54 to %scan3A_56 step %scan3A_57 iter_args(%scan3A_66 = %scan3A_53) -> (i32)  : i32 {
      %get3A = arith.index_cast %scan3A_65 : i32 to index
      %get3A_67 = arith.constant 0 : index
      %get3A_68 = tpu.vector_load %arg11[%get3A, %get3A_67] {strides = array<i32>} : memref<632x16xf32, #tpu.memory_space<vmem>>, vector<16xf32>,
      %get3A_69 = arith.index_cast %scan3A_65 : i32 to index
      %get3A_70 = arith.constant 0 : index
      %get3A_71 = tpu.vector_load %arg9[%get3A_69, %get3A_70] {strides = array<i32>} : memref<632x16xf32, #tpu.memory_space<vmem>>, vector<16xf32>,
      %mul3A_72 = arith.constant 1.11111116 : f32
      %mul3A_73 = vector.broadcast %mul3A_72 : f32 to vector<16xf32>
      %mul3A_74 = arith.mulf %get3A_71, %mul3A_73 : vector<16xf32>
      %broadcast_in_dim3A = arith.constant 1.000000e+00 : f32
      %broadcast_in_dim3A_75 = vector.broadcast %broadcast_in_dim3A : f32 to vector<16xf32>
      %ge3A = arith.constant 2.000000e+00 : f32
      %ge3A_76 = vector.broadcast %ge3A : f32 to vector<16xf32>
      %ge3A_77 = arith.cmpf oge, %mul3A_74, %ge3A_76 : vector<16xf32>
      %jit3A = arith.constant 5.000000e-01 : f32
      %broadcast_in_dim3A_78 = vector.broadcast %jit3A : f32 to vector<16xf32>
      %select_n3A = arith.select %ge3A_77, %broadcast_in_dim3A_78, %broadcast_in_dim3A_75 : vector<16xi1>, vector<16xf32>
      %ge3A_79 = arith.constant 8.000000e+00 : f32
      %ge3A_80 = vector.broadcast %ge3A_79 : f32 to vector<16xf32>
      %ge3A_81 = arith.cmpf oge, %mul3A_74, %ge3A_80 : vector<16xf32>
      %jit3A_82 = arith.constant 2.500000e-01 : f32
      %broadcast_in_dim3A_83 = vector.broadcast %jit3A_82 : f32 to vector<16xf32>
      %select_n3A_84 = arith.select %ge3A_81, %broadcast_in_dim3A_83, %select_n3A : vector<16xi1>, vector<16xf32>
      %ge3A_85 = arith.constant 3.200000e+01 : f32
      %ge3A_86 = vector.broadcast %ge3A_85 : f32 to vector<16xf32>
      %ge3A_87 = arith.cmpf oge, %mul3A_74, %ge3A_86 : vector<16xf32>
      %jit3A_88 = arith.constant 1.250000e-01 : f32
      %broadcast_in_dim3A_89 = vector.broadcast %jit3A_88 : f32 to vector<16xf32>
      %select_n3A_90 = arith.select %ge3A_87, %broadcast_in_dim3A_89, %select_n3A_84 : vector<16xi1>, vector<16xf32>
      %ge3A_91 = arith.constant 1.280000e+02 : f32
      %ge3A_92 = vector.broadcast %ge3A_91 : f32 to vector<16xf32>
      %ge3A_93 = arith.cmpf oge, %mul3A_74, %ge3A_92 : vector<16xf32>
      %jit3A_94 = arith.constant 6.250000e-02 : f32
      %broadcast_in_dim3A_95 = vector.broadcast %jit3A_94 : f32 to vector<16xf32>
      %select_n3A_96 = arith.select %ge3A_93, %broadcast_in_dim3A_95, %select_n3A_90 : vector<16xi1>, vector<16xf32>
      %ge3A_97 = arith.constant 5.120000e+02 : f32
      %ge3A_98 = vector.broadcast %ge3A_97 : f32 to vector<16xf32>
      %ge3A_99 = arith.cmpf oge, %mul3A_74, %ge3A_98 : vector<16xf32>
      %jit3A_100 = arith.constant 3.125000e-02 : f32
      %broadcast_in_dim3A_101 = vector.broadcast %jit3A_100 : f32 to vector<16xf32>
      %select_n3A_102 = arith.select %ge3A_99, %broadcast_in_dim3A_101, %select_n3A_96 : vector<16xi1>, vector<16xf32>
      %ge3A_103 = arith.constant 2.048000e+03 : f32
      %ge3A_104 = vector.broadcast %ge3A_103 : f32 to vector<16xf32>
      %ge3A_105 = arith.cmpf oge, %mul3A_74, %ge3A_104 : vector<16xf32>
      %jit3A_106 = arith.constant 1.562500e-02 : f32
      %broadcast_in_dim3A_107 = vector.broadcast %jit3A_106 : f32 to vector<16xf32>
      %select_n3A_108 = arith.select %ge3A_105, %broadcast_in_dim3A_107, %select_n3A_102 : vector<16xi1>, vector<16xf32>
      %ge3A_109 = arith.constant 8.192000e+03 : f32
      %ge3A_110 = vector.broadcast %ge3A_109 : f32 to vector<16xf32>
      %ge3A_111 = arith.cmpf oge, %mul3A_74, %ge3A_110 : vector<16xf32>
      %jit3A_112 = arith.constant 7.812500e-03 : f32
      %broadcast_in_dim3A_113 = vector.broadcast %jit3A_112 : f32 to vector<16xf32>
      %select_n3A_114 = arith.select %ge3A_111, %broadcast_in_dim3A_113, %select_n3A_108 : vector<16xi1>, vector<16xf32>
      %ge3A_115 = arith.constant 3.276800e+04 : f32
      %ge3A_116 = vector.broadcast %ge3A_115 : f32 to vector<16xf32>
      %ge3A_117 = arith.cmpf oge, %mul3A_74, %ge3A_116 : vector<16xf32>
      %jit3A_118 = arith.constant 3.906250e-03 : f32
      %broadcast_in_dim3A_119 = vector.broadcast %jit3A_118 : f32 to vector<16xf32>
      %select_n3A_120 = arith.select %ge3A_117, %broadcast_in_dim3A_119, %select_n3A_114 : vector<16xi1>, vector<16xf32>
      %ge3A_121 = arith.constant 1.310720e+05 : f32
      %ge3A_122 = vector.broadcast %ge3A_121 : f32 to vector<16xf32>
      %ge3A_123 = arith.cmpf oge, %mul3A_74, %ge3A_122 : vector<16xf32>
      %jit3A_124 = arith.constant 0.001953125 : f32
      %broadcast_in_dim3A_125 = vector.broadcast %jit3A_124 : f32 to vector<16xf32>
      %select_n3A_126 = arith.select %ge3A_123, %broadcast_in_dim3A_125, %select_n3A_120 : vector<16xi1>, vector<16xf32>
      %ge3A_127 = arith.constant 5.242880e+05 : f32
      %ge3A_128 = vector.broadcast %ge3A_127 : f32 to vector<16xf32>
      %ge3A_129 = arith.cmpf oge, %mul3A_74, %ge3A_128 : vector<16xf32>
      %jit3A_130 = arith.constant 9.765625E-4 : f32
      %broadcast_in_dim3A_131 = vector.broadcast %jit3A_130 : f32 to vector<16xf32>
      %select_n3A_132 = arith.select %ge3A_129, %broadcast_in_dim3A_131, %select_n3A_126 : vector<16xi1>, vector<16xf32>
      %le3A = arith.constant 5.000000e-01 : f32
      %le3A_133 = vector.broadcast %le3A : f32 to vector<16xf32>
      %le3A_134 = arith.cmpf ole, %mul3A_74, %le3A_133 : vector<16xf32>
      %jit3A_135 = arith.constant 2.000000e+00 : f32
      %broadcast_in_dim3A_136 = vector.broadcast %jit3A_135 : f32 to vector<16xf32>
      %select_n3A_137 = arith.select %le3A_134, %broadcast_in_dim3A_136, %select_n3A_132 : vector<16xi1>, vector<16xf32>
      %le3A_138 = arith.constant 1.250000e-01 : f32
      %le3A_139 = vector.broadcast %le3A_138 : f32 to vector<16xf32>
      %le3A_140 = arith.cmpf ole, %mul3A_74, %le3A_139 : vector<16xf32>
      %jit3A_141 = arith.constant 4.000000e+00 : f32
      %broadcast_in_dim3A_142 = vector.broadcast %jit3A_141 : f32 to vector<16xf32>
      %select_n3A_143 = arith.select %le3A_140, %broadcast_in_dim3A_142, %select_n3A_137 : vector<16xi1>, vector<16xf32>
      %le3A_144 = arith.constant 3.125000e-02 : f32
      %le3A_145 = vector.broadcast %le3A_144 : f32 to vector<16xf32>
      %le3A_146 = arith.cmpf ole, %mul3A_74, %le3A_145 : vector<16xf32>
      %jit3A_147 = arith.constant 8.000000e+00 : f32
      %broadcast_in_dim3A_148 = vector.broadcast %jit3A_147 : f32 to vector<16xf32>
      %select_n3A_149 = arith.select %le3A_146, %broadcast_in_dim3A_148, %select_n3A_143 : vector<16xi1>, vector<16xf32>
      %le3A_150 = arith.constant 7.812500e-03 : f32
      %le3A_151 = vector.broadcast %le3A_150 : f32 to vector<16xf32>
      %le3A_152 = arith.cmpf ole, %mul3A_74, %le3A_151 : vector<16xf32>
      %jit3A_153 = arith.constant 1.600000e+01 : f32
      %broadcast_in_dim3A_154 = vector.broadcast %jit3A_153 : f32 to vector<16xf32>
      %select_n3A_155 = arith.select %le3A_152, %broadcast_in_dim3A_154, %select_n3A_149 : vector<16xi1>, vector<16xf32>
      %le3A_156 = arith.constant 0.001953125 : f32
      %le3A_157 = vector.broadcast %le3A_156 : f32 to vector<16xf32>
      %le3A_158 = arith.cmpf ole, %mul3A_74, %le3A_157 : vector<16xf32>
      %jit3A_159 = arith.constant 3.200000e+01 : f32
      %broadcast_in_dim3A_160 = vector.broadcast %jit3A_159 : f32 to vector<16xf32>
      %select_n3A_161 = arith.select %le3A_158, %broadcast_in_dim3A_160, %select_n3A_155 : vector<16xi1>, vector<16xf32>
      %le3A_162 = arith.constant 4.8828125E-4 : f32
      %le3A_163 = vector.broadcast %le3A_162 : f32 to vector<16xf32>
      %le3A_164 = arith.cmpf ole, %mul3A_74, %le3A_163 : vector<16xf32>
      %jit3A_165 = arith.constant 6.400000e+01 : f32
      %broadcast_in_dim3A_166 = vector.broadcast %jit3A_165 : f32 to vector<16xf32>
      %select_n3A_167 = arith.select %le3A_164, %broadcast_in_dim3A_166, %select_n3A_161 : vector<16xi1>, vector<16xf32>
      %le3A_168 = arith.constant 1.22070313E-4 : f32
      %le3A_169 = vector.broadcast %le3A_168 : f32 to vector<16xf32>
      %le3A_170 = arith.cmpf ole, %mul3A_74, %le3A_169 : vector<16xf32>
      %jit3A_171 = arith.constant 1.280000e+02 : f32
      %broadcast_in_dim3A_172 = vector.broadcast %jit3A_171 : f32 to vector<16xf32>
      %select_n3A_173 = arith.select %le3A_170, %broadcast_in_dim3A_172, %select_n3A_167 : vector<16xi1>, vector<16xf32>
      %le3A_174 = arith.constant 3.05175781E-5 : f32
      %le3A_175 = vector.broadcast %le3A_174 : f32 to vector<16xf32>
      %le3A_176 = arith.cmpf ole, %mul3A_74, %le3A_175 : vector<16xf32>
      %jit3A_177 = arith.constant 2.560000e+02 : f32
      %broadcast_in_dim3A_178 = vector.broadcast %jit3A_177 : f32 to vector<16xf32>
      %select_n3A_179 = arith.select %le3A_176, %broadcast_in_dim3A_178, %select_n3A_173 : vector<16xi1>, vector<16xf32>
      %le3A_180 = arith.constant 7.62939453E-6 : f32
      %le3A_181 = vector.broadcast %le3A_180 : f32 to vector<16xf32>
      %le3A_182 = arith.cmpf ole, %mul3A_74, %le3A_181 : vector<16xf32>
      %jit3A_183 = arith.constant 5.120000e+02 : f32
      %broadcast_in_dim3A_184 = vector.broadcast %jit3A_183 : f32 to vector<16xf32>
      %select_n3A_185 = arith.select %le3A_182, %broadcast_in_dim3A_184, %select_n3A_179 : vector<16xi1>, vector<16xf32>
      %le3A_186 = arith.constant 1.90734863E-6 : f32
      %le3A_187 = vector.broadcast %le3A_186 : f32 to vector<16xf32>
      %le3A_188 = arith.cmpf ole, %mul3A_74, %le3A_187 : vector<16xf32>
      %jit3A_189 = arith.constant 1.024000e+03 : f32
      %broadcast_in_dim3A_190 = vector.broadcast %jit3A_189 : f32 to vector<16xf32>
      %select_n3A_191 = arith.select %le3A_188, %broadcast_in_dim3A_190, %select_n3A_185 : vector<16xi1>, vector<16xf32>
      %mul3A_192 = arith.constant 5.000000e-01 : f32
      %mul3A_193 = vector.broadcast %mul3A_192 : f32 to vector<16xf32>
      %mul3A_194 = arith.mulf %mul3A_193, %mul3A_74 : vector<16xf32>
      %mul3A_195 = arith.mulf %mul3A_194, %select_n3A_191 : vector<16xf32>
      %mul3A_196 = arith.mulf %mul3A_195, %select_n3A_191 : vector<16xf32>
      %sub3A_197 = arith.constant 1.500000e+00 : f32
      %sub3A_198 = vector.broadcast %sub3A_197 : f32 to vector<16xf32>
      %sub3A_199 = arith.subf %sub3A_198, %mul3A_196 : vector<16xf32>
      %mul3A_200 = arith.mulf %select_n3A_191, %sub3A_199 : vector<16xf32>
      %mul3A_201 = arith.constant 5.000000e-01 : f32
      %mul3A_202 = vector.broadcast %mul3A_201 : f32 to vector<16xf32>
      %mul3A_203 = arith.mulf %mul3A_202, %mul3A_74 : vector<16xf32>
      %mul3A_204 = arith.mulf %mul3A_203, %mul3A_200 : vector<16xf32>
      %mul3A_205 = arith.mulf %mul3A_204, %mul3A_200 : vector<16xf32>
      %sub3A_206 = arith.constant 1.500000e+00 : f32
      %sub3A_207 = vector.broadcast %sub3A_206 : f32 to vector<16xf32>
      %sub3A_208 = arith.subf %sub3A_207, %mul3A_205 : vector<16xf32>
      %mul3A_209 = arith.mulf %mul3A_200, %sub3A_208 : vector<16xf32>
      %mul3A_210 = arith.constant 5.000000e-01 : f32
      %mul3A_211 = vector.broadcast %mul3A_210 : f32 to vector<16xf32>
      %mul3A_212 = arith.mulf %mul3A_211, %mul3A_74 : vector<16xf32>
      %mul3A_213 = arith.mulf %mul3A_212, %mul3A_209 : vector<16xf32>
      %mul3A_214 = arith.mulf %mul3A_213, %mul3A_209 : vector<16xf32>
      %sub3A_215 = arith.constant 1.500000e+00 : f32
      %sub3A_216 = vector.broadcast %sub3A_215 : f32 to vector<16xf32>
      %sub3A_217 = arith.subf %sub3A_216, %mul3A_214 : vector<16xf32>
      %mul3A_218 = arith.mulf %mul3A_209, %sub3A_217 : vector<16xf32>
      %mul3A_219 = arith.constant 5.000000e-01 : f32
      %mul3A_220 = vector.broadcast %mul3A_219 : f32 to vector<16xf32>
      %mul3A_221 = arith.mulf %mul3A_220, %mul3A_74 : vector<16xf32>
      %mul3A_222 = arith.mulf %mul3A_221, %mul3A_218 : vector<16xf32>
      %mul3A_223 = arith.mulf %mul3A_222, %mul3A_218 : vector<16xf32>
      %sub3A_224 = arith.constant 1.500000e+00 : f32
      %sub3A_225 = vector.broadcast %sub3A_224 : f32 to vector<16xf32>
      %sub3A_226 = arith.subf %sub3A_225, %mul3A_223 : vector<16xf32>
      %mul3A_227 = arith.mulf %mul3A_218, %sub3A_226 : vector<16xf32>
      %mul3A_228 = arith.constant 5.000000e-01 : f32
      %mul3A_229 = vector.broadcast %mul3A_228 : f32 to vector<16xf32>
      %mul3A_230 = arith.mulf %mul3A_229, %mul3A_74 : vector<16xf32>
      %mul3A_231 = arith.mulf %mul3A_230, %mul3A_227 : vector<16xf32>
      %mul3A_232 = arith.mulf %mul3A_231, %mul3A_227 : vector<16xf32>
      %sub3A_233 = arith.constant 1.500000e+00 : f32
      %sub3A_234 = vector.broadcast %sub3A_233 : f32 to vector<16xf32>
      %sub3A_235 = arith.subf %sub3A_234, %mul3A_232 : vector<16xf32>
      %mul3A_236 = arith.mulf %mul3A_227, %sub3A_235 : vector<16xf32>
      %mul3A_237 = arith.constant 5.000000e-01 : f32
      %mul3A_238 = vector.broadcast %mul3A_237 : f32 to vector<16xf32>
      %mul3A_239 = arith.mulf %mul3A_238, %mul3A_74 : vector<16xf32>
      %mul3A_240 = arith.mulf %mul3A_239, %mul3A_236 : vector<16xf32>
      %mul3A_241 = arith.mulf %mul3A_240, %mul3A_236 : vector<16xf32>
      %sub3A_242 = arith.constant 1.500000e+00 : f32
      %sub3A_243 = vector.broadcast %sub3A_242 : f32 to vector<16xf32>
      %sub3A_244 = arith.subf %sub3A_243, %mul3A_241 : vector<16xf32>
      %mul3A_245 = arith.mulf %mul3A_236, %sub3A_244 : vector<16xf32>
      %mul3A_246 = arith.mulf %get3A_68, %mul3A_245 : vector<16xf32>
      %swap3A = arith.index_cast %scan3A_65 : i32 to index
      %swap3A_247 = arith.constant 0 : index
      %swap3A_248 = tpu.vector_load %arg12[%swap3A, %swap3A_247] {strides = array<i32>} : memref<632x16xf32, #tpu.memory_space<vmem>>, vector<16xf32>,
      tpu.vector_store %arg12[%swap3A, %swap3A_247], %mul3A_246 {strides = array<i32>} : memref<632x16xf32, #tpu.memory_space<vmem>>, vector<16xf32>,
      %scan3A_249 = arith.constant 0 : i32
      scf.yield %scan3A_249 : i32
    }
    %scan3A_59 = arith.constant 632 : i32
    %eq3A_60 = arith.constant 0 : i32
    %eq3A_61 = arith.cmpi eq, %arg0, %eq3A_60 : i32
    %convert_element_type3A_62 = arith.extui %eq3A_61 : i1 to i32
    %cond3A_63 = arith.constant 0 : i32
    %cond3A_64 = arith.cmpi ne, %convert_element_type3A_62, %cond3A_63 : i32
    scf.if %cond3A_64 {
      "tpu.region"() ({
        %run_scoped3A_65 = tpu.sem_alloc : memref<!tpu.dma_semaphore, #tpu.memory_space<semaphore_mem>>
        %dma_start3A_66 = arith.constant 0 : i32
        %dma_start3A_67 = tpu.memref_slice %arg5[%mul3A_0, %dma_start3A_66] : memref<10112x16xf32, #tpu.memory_space<hbm>> -> memref<632x16xf32, #tpu.memory_space<hbm>>
        %dma_start3A_68 = arith.constant 0 : i32
        %dma_start3A_69 = tpu.memref_slice %arg5[%mul3A_0, %dma_start3A_68] : memref<10112x16xf32, #tpu.memory_space<hbm>> -> memref<632x16xf32, #tpu.memory_space<hbm>>
        tpu.enqueue_dma source(%arg12 : memref<632x16xf32, #tpu.memory_space<vmem>>) target(%dma_start3A_69 : memref<632x16xf32, #tpu.memory_space<hbm>>) target_semaphore(%run_scoped3A_65 : memref<!tpu.dma_semaphore, #tpu.memory_space<semaphore_mem>>)
        %dma_wait3A_70 = arith.constant 0 : i32
        %dma_wait3A_71 = tpu.memref_slice %arg5[%mul3A_0, %dma_wait3A_70] : memref<10112x16xf32, #tpu.memory_space<hbm>> -> memref<632x16xf32, #tpu.memory_space<hbm>>
        %dma_wait3A_72 = arith.constant 0 : i32
        %dma_wait3A_73 = tpu.memref_slice %arg5[%mul3A_0, %dma_wait3A_72] : memref<10112x16xf32, #tpu.memory_space<hbm>> -> memref<632x16xf32, #tpu.memory_space<hbm>>
        tpu.wait_dma2 semaphore(%run_scoped3A_65 : memref<!tpu.dma_semaphore, #tpu.memory_space<semaphore_mem>>) src(%arg12 : memref<632x16xf32, #tpu.memory_space<vmem>>) dst(%dma_wait3A_73 : memref<632x16xf32, #tpu.memory_space<hbm>>)
        tpu.yield
      }) : () -> ()
    } else {
    }
    return
  }
}

module attributes {stable_mosaic.version = 14 : i64} {
  func.func @_mlp_body(%arg0: i32, %arg1: memref<1000x128xf32, #tpu.memory_space<vmem>>, %arg2: memref<64x128xf32, #tpu.memory_space<vmem>>, %arg3: memref<1x64xf32, #tpu.memory_space<vmem>>, %arg4: memref<16x64xf32, #tpu.memory_space<vmem>>, %arg5: memref<1x16xf32, #tpu.memory_space<vmem>>, %arg6: memref<1000x16xf32, #tpu.memory_space<vmem>>) attributes {dimension_semantics = [#tpu.dimension_semantics<arbitrary>], iteration_bounds = array<i64: 10>, scalar_prefetch = 0 : i64, scratch_operands = 0 : i64, tpu.core_type = #tpu.core_type<tc>, window_params = [{transform_indices = @transform_0, window_bounds = array<i64: 1000, 128>}, {pipeline_mode = #tpu.pipeline_mode<synchronous>, transform_indices = @transform_1, window_bounds = array<i64: 64, 128>}, {pipeline_mode = #tpu.pipeline_mode<synchronous>, transform_indices = @transform_2, window_bounds = array<i64: 1, 64>}, {pipeline_mode = #tpu.pipeline_mode<synchronous>, transform_indices = @transform_3, window_bounds = array<i64: 16, 64>}, {pipeline_mode = #tpu.pipeline_mode<synchronous>, transform_indices = @transform_4, window_bounds = array<i64: 1, 16>}, {transform_indices = @transform_5, window_bounds = array<i64: 1000, 16>}]} {
    %get3A = arith.constant 0 : index
    %get3A_0 = arith.constant 0 : index
    %get3A_1 = vector.load %arg1[%get3A, %get3A_0] : memref<1000x128xf32, #tpu.memory_space<vmem>>, vector<1000x128xf32>
    %get3A_2 = arith.constant 0 : index
    %get3A_3 = arith.constant 0 : index
    %get3A_4 = vector.load %arg2[%get3A_2, %get3A_3] : memref<64x128xf32, #tpu.memory_space<vmem>>, vector<64x128xf32>
    %dot_general3A = arith.constant dense<0.000000e+00> : vector<1000x64xf32>
    %dot_general3A_5 = tpu.matmul %get3A_1, %get3A_4, %dot_general3A {dimension_numbers = #tpu.dot_dimension_numbers<[1], [1], [0], [0], [0, 0, 1, 0], [], []>, transpose_lhs_hint = false} : vector<1000x128xf32>, vector<64x128xf32>, vector<1000x64xf32> -> vector<1000x64xf32>
    %get3A_6 = arith.constant 0 : index
    %get3A_7 = arith.constant 0 : index
    %get3A_8 = vector.load %arg3[%get3A_6, %get3A_7] : memref<1x64xf32, #tpu.memory_space<vmem>>, vector<1x64xf32>
    %add3A = vector.broadcast %get3A_8 : vector<1x64xf32> to vector<1000x64xf32>
    %add3A_9 = arith.addf %dot_general3A_5, %add3A : vector<1000x64xf32>
    %max3A = arith.constant 0.000000e+00 : f32
    %max3A_10 = vector.broadcast %max3A : f32 to vector<1000x64xf32>
    %max3A_11 = arith.maximumf %add3A_9, %max3A_10 : vector<1000x64xf32>
    %get3A_12 = arith.constant 0 : index
    %get3A_13 = arith.constant 0 : index
    %get3A_14 = vector.load %arg4[%get3A_12, %get3A_13] : memref<16x64xf32, #tpu.memory_space<vmem>>, vector<16x64xf32>
    %dot_general3A_15 = arith.constant dense<0.000000e+00> : vector<1000x16xf32>
    %dot_general3A_16 = tpu.matmul %max3A_11, %get3A_14, %dot_general3A_15 {dimension_numbers = #tpu.dot_dimension_numbers<[1], [1], [0], [0], [0, 0, 1, 0], [], []>, transpose_lhs_hint = false} : vector<1000x64xf32>, vector<16x64xf32>, vector<1000x16xf32> -> vector<1000x16xf32>
    %get3A_17 = arith.constant 0 : index
    %get3A_18 = arith.constant 0 : index
    %get3A_19 = vector.load %arg5[%get3A_17, %get3A_18] : memref<1x16xf32, #tpu.memory_space<vmem>>, vector<1x16xf32>
    %add3A_20 = vector.broadcast %get3A_19 : vector<1x16xf32> to vector<1000x16xf32>
    %add3A_21 = arith.addf %dot_general3A_16, %add3A_20 : vector<1000x16xf32>
    %swap3A = arith.constant 0 : index
    %swap3A_22 = arith.constant 0 : index
    %swap3A_23 = vector.load %arg6[%swap3A, %swap3A_22] : memref<1000x16xf32, #tpu.memory_space<vmem>>, vector<1000x16xf32>
    tpu.vector_store %arg6[%swap3A, %swap3A_22], %add3A_21 {strides = array<i32>} : memref<1000x16xf32, #tpu.memory_space<vmem>>, vector<1000x16xf32>,
    return
  }
  func.func @transform_0(%arg0: i32) -> (i32, i32) {
    %c0_i32 = arith.constant 0 : i32
    %c0_i32_0 = arith.constant 0 : i32
    return %arg0, %c0_i32 : i32, i32
  }
  func.func @transform_1(%arg0: i32) -> (i32, i32) {
    %c0_i32 = arith.constant 0 : i32
    %c0_i32_0 = arith.constant 0 : i32
    %c0_i32_1 = arith.constant 0 : i32
    return %c0_i32, %c0_i32_0 : i32, i32
  }
  func.func @transform_2(%arg0: i32) -> (i32, i32) {
    %c0_i32 = arith.constant 0 : i32
    %c0_i32_0 = arith.constant 0 : i32
    %c0_i32_1 = arith.constant 0 : i32
    return %c0_i32, %c0_i32_0 : i32, i32
  }
  func.func @transform_3(%arg0: i32) -> (i32, i32) {
    %c0_i32 = arith.constant 0 : i32
    %c0_i32_0 = arith.constant 0 : i32
    %c0_i32_1 = arith.constant 0 : i32
    return %c0_i32, %c0_i32_0 : i32, i32
  }
  func.func @transform_4(%arg0: i32) -> (i32, i32) {
    %c0_i32 = arith.constant 0 : i32
    %c0_i32_0 = arith.constant 0 : i32
    %c0_i32_1 = arith.constant 0 : i32
    return %c0_i32, %c0_i32_0 : i32, i32
  }
  func.func @transform_5(%arg0: i32) -> (i32, i32) {
    %c0_i32 = arith.constant 0 : i32
    %c0_i32_0 = arith.constant 0 : i32
    return %arg0, %c0_i32 : i32, i32
  }
}

module attributes {stable_mosaic.version = 14 : i64} {
  func.func @_lsm_body(%arg0: i32, %arg1: memref<1000x16xf32, #tpu.memory_space<vmem>>, %arg2: memref<1000x16xf32, #tpu.memory_space<vmem>>) attributes {dimension_semantics = [#tpu.dimension_semantics<arbitrary>], iteration_bounds = array<i64: 10>, scalar_prefetch = 0 : i64, scratch_operands = 0 : i64, tpu.core_type = #tpu.core_type<tc>, window_params = [{transform_indices = @transform_0, window_bounds = array<i64: 1000, 16>}, {transform_indices = @transform_1, window_bounds = array<i64: 1000, 16>}]} {
    %get3A = arith.constant 0 : index
    %get3A_0 = arith.constant 0 : index
    %get3A_1 = vector.load %arg1[%get3A, %get3A_0] : memref<1000x16xf32, #tpu.memory_space<vmem>>, vector<1000x16xf32>
    %reduce_max3A = arith.constant dense<0xFF800000> : vector<1000xf32>
    %reduce_max3A_2 = vector.multi_reduction <maximumf>, %get3A_1, %reduce_max3A [1] : vector<1000x16xf32> to vector<1000xf32>
    %broadcast_in_dim3A = vector.shape_cast %reduce_max3A_2 : vector<1000xf32> to vector<1000x1xf32>
    %sub3A = vector.broadcast %broadcast_in_dim3A : vector<1000x1xf32> to vector<1000x16xf32>
    %sub3A_3 = arith.subf %get3A_1, %sub3A : vector<1000x16xf32>
    %exp3A = math.exp %sub3A_3 : vector<1000x16xf32>
    %reduce_sum3A = arith.constant dense<0.000000e+00> : vector<1000xf32>
    %reduce_sum3A_4 = vector.multi_reduction <add>, %exp3A, %reduce_sum3A [1] : vector<1000x16xf32> to vector<1000xf32>
    %broadcast_in_dim3A_5 = vector.shape_cast %reduce_sum3A_4 : vector<1000xf32> to vector<1000x1xf32>
    %log3A = math.log %broadcast_in_dim3A_5 : vector<1000x1xf32>
    %sub3A_6 = vector.broadcast %log3A : vector<1000x1xf32> to vector<1000x16xf32>
    %sub3A_7 = arith.subf %sub3A_3, %sub3A_6 : vector<1000x16xf32>
    %swap3A = arith.constant 0 : index
    %swap3A_8 = arith.constant 0 : index
    %swap3A_9 = vector.load %arg2[%swap3A, %swap3A_8] : memref<1000x16xf32, #tpu.memory_space<vmem>>, vector<1000x16xf32>
    tpu.vector_store %arg2[%swap3A, %swap3A_8], %sub3A_7 {strides = array<i32>} : memref<1000x16xf32, #tpu.memory_space<vmem>>, vector<1000x16xf32>,
    return
  }
  func.func @transform_0(%arg0: i32) -> (i32, i32) {
    %c0_i32 = arith.constant 0 : i32
    %c0_i32_0 = arith.constant 0 : i32
    return %arg0, %c0_i32 : i32, i32
  }
  func.func @transform_1(%arg0: i32) -> (i32, i32) {
    %c0_i32 = arith.constant 0 : i32
    %c0_i32_0 = arith.constant 0 : i32
    return %arg0, %c0_i32 : i32, i32
  }
}

</mosaic_0001>

<sc_bundles>
// kernel: kernel.5.cloned.1.call-start
scs
__scs_entry_jumppad:
0x0: {  	(pc) =	sbr.rel $0x88, $3  }
0x1: {  	(tag) =	ssettag $0x0;
	lr =	simm.s32 $0x1  }
0x2: {  	[smem:$0x3F9B] =	sst lr;
	_ =	strace $0xD0000000  }
0x3: {  	_ = 	snop  }
0x4: {  	_ = 	snop  }
0x5: {  	_ = 	snop  }
0x6: {  	_ = 	snop  }
0x7: {  	_ = 	snop  }
__scs_overlays_trampoline_lowered:
0x8: {  	[smem:$0x3FAA] =	sst s0  }
0x9: {  	[smem:$0x3FAB] =	sst s1  }
0xa: {  	[smem:$0x3FAC] =	sst s2  }
0xb: {  	[smem:$0x3FAD] =	sst s3  }
0xc: {  	[smem:$0x3FAE] =	sst s4  }
0xd: {  	[smem:$0x3FAF] =	sst s5  }
0xe: {  	[smem:$0x3FB0] =	sst s6  }
0xf: {  	[smem:$0x3FB1] =	sst s7  }
0x10: {  	[smem:$0x3FB2] =	sst s8  }
0x11: {  	[smem:$0x3FB3] =	sst s9;
	s0 =	simm.s32 @!p0 $0x0  }
0x12: {  	s1 =	sld [smem:$0x3F99];
	s0 =	simm.s32 @p0 $0x1  }
0x13: {  	[smem:$0x3FB4] =	sst s0;
	s0 =	simm.s32 @!p1 $0x0  }
0x14: {  	s2 =	sld [smem:$0x3F98];
	s0 =	simm.s32 @p1 $0x1  }
0x15: {  	[smem:$0x3FB5] =	sst s0;
	s0 =	simm.s32 @!p2 $0x0  }
0x16: {  	s3 =	sld [smem:$0x3FDB];
	s0 =	simm.s32 @p2 $0x1  }
0x17: {  	s4 =	simm.s32 $0x1BF5;
	[smem:$0x3FB7] =	sst s0  }
0x18: {  	s0 =	sld [smem:$0x3F9A];
	_ =	swait.ge [sflag:s4], $0x0  }
0x19: {  	s7 =	sld [smem:$0x3F9B]  }
0x1a: {  	s8 =	sadd.s32 $0xFFFFE003, lr  }
0x1b: {  	s9 =	sadd.s32 $0xFFFFFEF7, lr;
	s5 =	simm.s32 $0xFFFFFFFF;
	p2 =	slt.u32 s8, $0xFFFFF086  }
0x1c: {  	p1 =	slt.u32 s9, $0xF7A;
	s5 =	simm.s32 @!p2 $0x0  }
0x1d: {  	s5 =	simm.s32 @p1 $0x1;
	p0 =	seq.s32 s7, s2  }
0x1e: {  	s7 =	smul.u32 @!p0 $0xF7A, s2;
	p2 =	seq.s32 @!p0 s5, $0x0  }
0x1f: {  	s9 =	smul.u32 $0xF7A, s1;
	s8 =	simm.s32 @!p0 $0x1BF5;
	p2 =	por !p2, p0  }
0x20: {  	[sflag:s8] =	ssyncset.s32 @!p0 $0xFFFFF086;
	s6 =	sadd.s32 @!p0 s3, s7;
	s7 =	simm.s32 @!p0 $0x108  }
0x21: {  	s3 =	sadd.s32 s3, s9;
	s6 =	sadd.s32 @!p0 $0x88, s6;
	s7 =	simm.s32 @p2 $0x1082  }
0x22: {  	[simem:s7], [sflag:s8] =	dma.local @!p0 [hbm:s6], $0xF7A  }
0x23: {  	s9 =	sor.u32 $0xD0000000, s2;
	s6 =	simm.s32 $0x108;
	_ =	swait.ge @!p0 [sflag:s8], $0x0  }
0x24: {  	s3 =	sadd.s32 $0x88, s3;
	s6 =	simm.s32 @!p1 $0x1082;
	[sflag:s4] =	ssyncset.s32 $0xFFFFF086  }
0x25: {  	[simem:s6], [sflag:s4] =	dma.local [hbm:s3], $0xF7A  }
0x26: {  	[smem:$0x3F9B] =	sst s1;
	(tag) =	ssettag s2;
	_ =	strace s9  }
0x27: {  	s1 =	sld [smem:$0x3FAB]  }
0x28: {  	s2 =	sld [smem:$0x3FAC]  }
0x29: {  	s4 =	sld [smem:$0x3FAE]  }
0x2a: {  	p0 =	seq.s32 s5, $0x0;
	s5 =	sld [smem:$0x3FAF]  }
0x2b: {  	s6 =	sld [smem:$0x3FB0]  }
0x2c: {  	s7 =	sld [smem:$0x3FB1]  }
0x2d: {  	s3 =	simm.s32 $0x108;
	s8 =	sld [smem:$0x3FB2]  }
0x2e: {  	s3 =	simm.s32 @!p0 $0x1082;
	s9 =	sld [smem:$0x3FB3]  }
0x2f: {  	lr =	sadd.s32 s0, s3;
	s0 =	sld [smem:$0x3FAA]  }
0x30: {  	s3 =	sld [smem:$0x3FAD]  }
0x31: {  	[smem:$0x3FB6] =	sst s10  }
0x32: {  	s10 =	sld [smem:$0x3FB4];
	_ =	sdelay $0x3  }
0x33: {  	p0 =	seq.s32 s10, $0x1;
	s10 =	sld [smem:$0x3FB6];
	_ =	sdelay $0x3  }
0x34: {  	[smem:$0x3FB6] =	sst s10  }
0x35: {  	s10 =	sld [smem:$0x3FB5];
	_ =	sdelay $0x3  }
0x36: {  	p1 =	seq.s32 s10, $0x1;
	s10 =	sld [smem:$0x3FB6];
	_ =	sdelay $0x3  }
0x37: {  	[smem:$0x3FB6] =	sst s10  }
0x38: {  	s10 =	sld [smem:$0x3FB7]  }
0x39: {  	_ = 	snop;
	(pc) =	sbr.ind lr, $3  }
0x3a: {  	_ = 	snop  }
0x3b: {  	_ = 	snop  }
0x3c: {  	p2 =	seq.s32 s10, $0x1;
	s10 =	sld [smem:$0x3FB6]  }
0x3d: {  	_ =	shalt  }
0x3e: {  	_ =	shalt  }
0x3f: {  	_ =	shalt  }
0x40: {  	_ =	shalt  }
0x41: {  	_ =	shalt  }
0x42: {  	_ =	shalt  }
0x43: {  	_ =	shalt  }
0x44: {  	_ =	shalt  }
0x45: {  	_ =	shalt  }
0x46: {  	_ =	shalt  }
0x47: {  	_ =	shalt  }
0x48: {  	_ =	shalt  }
0x49: {  	_ =	shalt  }
0x4a: {  	_ =	shalt  }
0x4b: {  	_ =	shalt  }
0x4c: {  	_ =	shalt  }
0x4d: {  	_ =	shalt  }
0x4e: {  	_ =	shalt  }
0x4f: {  	_ =	shalt  }
0x50: {  	_ =	shalt  }
0x51: {  	_ =	shalt  }
0x52: {  	_ =	shalt  }
0x53: {  	_ =	shalt  }
0x54: {  	_ =	shalt  }
0x55: {  	_ =	shalt  }
0x56: {  	_ =	shalt  }
0x57: {  	_ =	shalt  }
0x58: {  	_ =	shalt  }
0x59: {  	_ =	shalt  }
0x5a: {  	_ =	shalt  }
0x5b: {  	_ =	shalt  }
0x5c: {  	_ =	shalt  }
0x5d: {  	_ =	shalt  }
0x5e: {  	_ =	shalt  }
0x5f: {  	_ =	shalt  }
0x60: {  	_ =	shalt  }
0x61: {  	_ =	shalt  }
0x62: {  	_ =	shalt  }
0x63: {  	_ =	shalt  }
0x64: {  	_ =	shalt  }
0x65: {  	_ =	shalt  }
0x66: {  	_ =	shalt  }
0x67: {  	_ =	shalt  }
0x68: {  	_ =	shalt  }
0x69: {  	_ =	shalt  }
0x6a: {  	_ =	shalt  }
0x6b: {  	_ =	shalt  }
0x6c: {  	_ =	shalt  }
0x6d: {  	_ =	shalt  }
0x6e: {  	_ =	shalt  }
0x6f: {  	_ =	shalt  }
0x70: {  	_ =	shalt  }
0x71: {  	_ =	shalt  }
0x72: {  	_ =	shalt  }
0x73: {  	_ =	shalt  }
0x74: {  	_ =	shalt  }
0x75: {  	_ =	shalt  }
0x76: {  	_ =	shalt  }
0x77: {  	_ =	shalt  }
0x78: {  	_ =	shalt  }
0x79: {  	_ =	shalt  }
0x7a: {  	_ =	shalt  }
0x7b: {  	_ =	shalt  }
0x7c: {  	_ =	shalt  }
0x7d: {  	_ =	shalt  }
0x7e: {  	_ =	shalt  }
0x7f: {  	_ =	shalt  }
0x80: {  	_ =	shalt  }
0x81: {  	_ =	shalt  }
0x82: {  	_ =	shalt  }
0x83: {  	_ =	shalt  }
0x84: {  	_ =	shalt  }
0x85: {  	_ =	shalt  }
0x86: {  	_ =	shalt  }
0x87: {  	_ =	shalt  }
.Lfunc_end0:
.L_simem_size_0:
called_computation_lowered:
.L_overlay_start_0:
0x88: {  	s2 =	sld [smem:$0x3FD9]  }
0x89: {  	s3 =	sld [smem:$0x3FFE];
	_ =	sdelay $0x1  }
0x8a: {  	s1 =	srdreg.scid  }
0x8b: {  	s0 =	sand.u32 $0x1, s1  }
0x8c: {  	s17 =	sshll.u32 s0, $0xA;
	s2 =	sadd.s32 s3, s2  }
0x8d: {  	s2 =	sadd.s32 s2, s17  }
0x8e: {  	[smem:$0x3FC2] =	sst s2  }
0x8f: {  	_ = 	snop  }
0x90: {  	s2 =	sld [smem:$0x3FD0];
	(tm) =	ssettm $0x1  }
0x91: {  	s18 =	sld [smem:$0x3FFB];
	_ =	sdelay $0x3  }
0x92: {  	_ =	strace s18  }
0x93: {  	s3 =	sld [smem:$0x3FFC];
	_ =	sdelay $0x3  }
0x94: {  	_ =	strace s3  }
0x95: {  	s3 =	sld [smem:$0x3FFD];
	_ =	sdelay $0x3  }
0x96: {  	_ =	strace s3  }
0x97: {  	_ =	strace $0x8FFFFFFF  }
0x98: {  	s19 =	sld [smem:$0x3FDB];
	_ =	sdelay $0x1  }
0x99: {  	s4 =	simm.s32 $_scs_section_size  }
0x9a: {  	s5 =	simm.s32 $_size__tile_overlayer_lowered;
	s6 =	simm.s32 $_tile_overlayer_lowered  }
0x9b: {  	s22 =	simm.s32 $0x1BFF;
	s21 =	sshll.u32 s6, $0x1;
	s3 =	sadd.s32 s4, s19  }
0x9c: {  	s7 =	simm.s32 $0x0;
	s20 =	sshll.u32 s5, $0x1;
	s5 =	sadd.s32 s21, s3  }
0x9d: {  	[timem:s7], [sflag:s22] =	dma.local [hbm:s5], s20  }
0x9e: {  	_ =	swait.ge [sflag:s22], s20  }
0x9f: {  	s4 =	ssub.s32 $0x0, s20;
	[sflag:s22] =	ssyncset.done $0x0  }
0xa0: {  	[sflag:s22] =	ssyncadd.s32 s4;
	_ =	sdelay $0x1  }
0xa1: {  	s23 =	simm.s32 $0x1B8B  }
0xa2: {  	_ =	swait.ge [sflag:s23], $0x1  }
0xa3: {  	[sflag:s23] =	ssyncset.done $0x0  }
0xa4: {  	s25 =	simm.s32 $0x1B8E;
	s24 =	sld [smem:$0x3FFE];
	[sflag:s23] =	ssyncadd.s32 $0xFFFFFFFF  }
0xa5: {  	s26 =	simm.s32 $execute0_lowered;
	[smem:$0x3FD2] =	sst s25  }
0xa6: {  	s5 =	sshll.u32 s26, $0x1;
	_ =	strace $0x80000046;
	[dreg:$0x1] =	wrdreg $0xFFFFFFFF  }
0xa7: {  	s28 =	simm.s32 $_size_execute0_lowered;
	s3 =	sadd.s32 s3, s5;
	[dreg:$0x0] =	wrdreg $0x0  }
0xa8: {  	s5 =	sshll.u32 s28, $0x1;
	[dreg:$0x2] =	wrdreg s3  }
0xa9: {  	[dreg:$0x3] =	wrdreg s5  }
0xaa: {  	[dreg:$0x4] =	wrdreg $0xC0  }
0xab: {  	_ =	task [dreg:s7], $0x5FFFF  }
0xac: {  	[dreg:$0x1] =	wrdreg $0xFFFFFFFF  }
0xad: {  	[dreg:$0x0] =	wrdreg $0x60  }
0xae: {  	[dreg:$0x2] =	wrdreg s24  }
0xaf: {  	[dreg:$0x3] =	wrdreg s2  }
0xb0: {  	[dreg:$0x4] =	wrdreg $0x27800  }
0xb1: {  	[dreg:$0x5] =	wrdreg $0x0  }
0xb2: {  	[dreg:$0x6] =	wrdreg $0x9  }
0xb3: {  	_ =	task.clear_ibuf [dreg:s7], $0x7FFFF;
	_ =	strace $0x90000046  }
0xb4: {  	s29 =	simm.s32 $0x9;
	_ =	strace $0x80000048  }
0xb5: {  	_ =	swait.ge [sflag:s29], $0x1  }
0xb6: {  	[sflag:s29] =	ssyncadd.s32 $0xFFFFFFFF  }
0xb7: {  	_ =	strace $0x90000048  }
0xb8: {  	_ =	sfence  }
0xb9: {  	s30 =	sld [smem:$0x0];
	_ =	sdelay $0x2  }
0xba: {  	s31 =	sshll.u32 s1, $0xD;
	s1 =	sshrl.u32 s1, $0x2  }
0xbb: {  	s3 =	sand.u32 $0x4000, s31;
	s1 =	sadd.s32 s1, s30  }
0xbc: {  	s0 =	sor.u32 s3, s0;
	s1 =	sshll.u32 s1, $0x11  }
0xbd: {  	s0 =	sor.u32 s1, s0  }
0xbe: {  	s0 =	sadd.s32 $0x8F2B, s0  }
0xbf: {  	[sflag:s0] =	ssyncadd.remote.s32 $0x1  }
0xc0: {  	_ =	sfence.sel $0xFFFF  }
0xc1: {  	[dreg:$0x0] =	wrdreg $0xFFFFFFFF;
	(pc) =	sbr.abs _section_cstart, $3  }
0xc2: {  	[dreg:$0x1] =	wrdreg $0xFFFFFFFF  }
0xc3: {  	_ =	task.clear_ibuf [dreg:s7], $0x2FFFF;
	_ =	strace $0x9FFFFFFF  }
0xc4: {  	(tm) =	ssettm $0x7FFFFFFF  }
0xc5: {  	_ =	shalt  }
tec
execute0_lowered:
.L_overlay_start_1:
0x0: {  	(tag) =	ssettag $0x1  }
0x1: {  	s1 =	rddreg [dreg:$0x0]  }
0x2: {  	s5 =	rddreg [dreg:$0x1]  }
0x3: {  	s0 =	rddreg [dreg:$0x2];
	s6 =	srdreg.scid  }
0x4: {  	s2 =	rddreg [dreg:$0x3];
	s9 =	stileid.u32;
	s3 =	simm.s32 $0x0  }
0x5: {  	s28 =	simm.s32 $0x4;
	s29 =	simm.s32 $0xED00;
	s30 =	simm.s32 $0x1  }
0x6: {  	s31 =	simm.s32 $0x19C00;
	s7 =	sand.u32 $0x1, s6;
	s8 =	smul.u32 $0x2800, s9  }
0x7: {  	[smem:$0x7FF] =	sst s3;
	s11 =	smul.u32 $0x2780, s9;
	s23 =	sand.u32 $0x2, s6  }
0x8: {  	p0 =	sne.s32 s9, $0x0;
	s9 =	simm.s32 $0x0;
	s4 =	smul.u32 $0x28000, s7  }
0x9: {  	_ =	strace $0x80000047;
	s10 =	ssub.s32 $0x2, s7;
	s18 =	smul.u32 $0x27800, s7  }
0xa: {  	s14 =	sxor.u32 $0x1, s7;
	s25 =	ssub.s32 s23, s7;
	p1 =	sne.s32 s7, $0x0  }
0xb: {  	s26 =	sshrl.u32 s11, $0x3;
	s13 =	sshrl.u32 s10, $0x1;
	s20 =	sadd.s32 $0x4F000, s11  }
0xc: {  	s16 =	smul.u32 $0x27800, s14;
	s4 =	sadd.s32 s8, s4;
	s15 =	sadd.s32 s26, s1  }
0xd: {  	s17 =	ssub.s32 s10, s13;
	s21 =	sadd.s32 s18, s20;
	s5 =	sadd.s32 s5, s26  }
0xe: {  	s8 =	sadd.s32 s11, s0;
	s10 =	sshrl.u32 s6, $0x2;
	s6 =	sadd.s32 $0x5, s25  }
0xf: {  	s13 =	sadd.s32 s18, s11;
	s18 =	simm.s32 $0x5;
	s4 =	sshrl.u32 s4, $0x3  }
0x10: {  	[dreg:$0x7] =	wrdreg s5;
	s22 =	sshrl.u32 s21, $0x3;
	s24 =	sadd.s32 s16, s20  }
0x11: {  	s26 =	sadd.s32 $0x28600, s15;
	s20 =	simm.s32 $0x9E00;
	s21 =	simm.s32 $0x11480  }
0x12: {  	s12 =	sadd.s32 s4, s1;
	s4 =	sadd.s32 $0x14A00, s1;
	[dreg:$0xa] =	wrdreg s26  }
0x13: {  	s1 =	smax.u32 s17, $0x1;
	s17 =	simm.s32 $0x13C00;
	s26 =	simm.s32 $0xC580  }
0x14: {  	s19 =	sadd.s32 $0xAA00, s12;
	s12 =	sadd.s32 $0xA00, s12;
	[dreg:$0xb] =	wrdreg s1  }
0x15: {  	s5 =	sadd.s32 s4, s22;
	s22 =	simm.s32 $0x100;
	[dreg:$0x5] =	wrdreg s19  }
0x16: {  	s1 =	sshll.u32 @!p0 s6, $0xE;
	s6 =	simm.s32 $0x18B00;
	[dreg:$0x6] =	wrdreg s12  }
0x17: {  	[dreg:$0x8] =	wrdreg s5;
	s12 =	sshrl.u32 s24, $0x3;
	s5 =	sor.u32 s23, s14  }
0x18: {  	s14 =	sadd.s32 s11, s16;
	s23 =	simm.s32 $0x18C00;
	[dreg:$0xc] =	wrdreg s1  }
0x19: {  	s1 =	simm.s32 $0x2;
	s12 =	sadd.s32 s4, s12;
	s5 =	sor.u32 $0x4, s5  }
0x1a: {  	v0 =	vimm.f32 $0.0e+00;
	v1 =	vimm.f32 $1.000000000e+00;
	[dreg:$0x9] =	wrdreg s12;
	s12 =	sadd.s32 s11, s2;
	s25 =	sshll.u32 @!p0 s5, $0xE  }
.LBB2_1:
0x1b: {  	[dreg:$0xd] =	wrdreg s9  }
0x1c: {  	s5 =	rddreg [dreg:$0x5]  }
0x1d: {  	[tilespmem:s17], [sflag:$0x5] =	stream.linear.gather [hbm4b:s5+s3], $0x2800, $0x38;
	[tilespmem:$0x1AC00] =	vst v63  }
0x1e: {  	_ =	swait.ge [sflag:s18], $0x2800  }
0x1f: {  	[sflag:s18] =	ssyncset.done $0x0  }
0x20: {  	s7 =	simm.s32 $0x16400;
	s19 =	rddreg [dreg:$0x6];
	[sflag:s18] =	ssyncadd.s32 $0xFFFFD800  }
0x21: {  	[tilespmem:s7], [sflag:$0x5] =	stream.linear.gather [hbm4b:s19+s3], $0x2800, $0x38;
	[tilespmem:$0x1AC00] =	vst v63  }
0x22: {  	_ =	swait.ge [sflag:s18], $0x2800  }
0x23: {  	[sflag:s18] =	ssyncset.done $0x0  }
0x24: {  	s24 =	rddreg [dreg:$0x7];
	[sflag:s18] =	ssyncadd.s32 $0xFFFFD800  }
0x25: {  	[tilespmem:s20], [sflag:$0x5] =	stream.linear.gather [hbm4b:s24+s3], $0x2780, $0x38;
	[tilespmem:$0x1AC00] =	vst v63  }
0x26: {  	_ =	swait.ge [sflag:s18], $0x2780  }
0x27: {  	[sflag:s18] =	ssyncset.done $0x0  }
0x28: {  	s7 =	simm.s32 $0x0;
	[sflag:s18] =	ssyncadd.s32 $0xFFFFD880  }
.LBB2_2:
0x29: {  	p2 =	sne.s32 s7, $0x9DC0  }
.Ltmp0:
0x2a: {  	_ = 	snop;
	(pc) =	sbr.rel @p2 .LBB2_2-.Ltmp0, $3  }
0x2b: {  	_ =	sdelay $0x1  }
0x2c: {  	s9 =	sshra.s32 s7, $0x2  }
0x2d: {  	s7 =	sadd.s32 $0x40, s7;
	[tilespmem:s9+$0x11480] =	vst v0  }
0x2e: {  	s7 =	simm.s32 $0x40;
	s9 =	simm.s32 $0x0  }
.LBB2_4:
0x2f: {  	p2 =	sne.s32 s7, $0x3FC0;
	[tilespmem:s9+$0x18C00] =	vst v1;
	s9 =	smov.u32 s7;
	s7 =	sadd.s32 $0x40, s7  }
.Ltmp1:
0x30: {  	(pc) =	sbr.rel @p2 .LBB2_4-.Ltmp1, $2  }
0x31: {  	_ =	sdelay $0x2  }
0x32: {  	s9 =	sshra.s32 s9, $0x2  }
0x33: {  	[tilespmem:s9+$0x18C00] =	vst v1  }
0x34: {  	[spmem:s8] =	stream.linear.scatter [tilespmem:s21], [sflag:$0x5], $0x2780, $0x38;
	[tilespmem:$0x1AC00] =	vst v63  }
0x35: {  	_ =	swait.ge [sflag:s18], $0x2780  }
0x36: {  	[sflag:s18] =	ssyncset.done $0x0  }
0x37: {  	[sflag:s18] =	ssyncadd.s32 $0xFFFFD880  }
0x38: {  	s7 =	simm.s32 $0x16400;
	[bflag:$0x0] =	sbarrier.arrive $0xFFFF  }
0x39: {  	[spmem:s0] =	stream.indirect.scatter.add.f32 [tilespmem:s23], [sflag:$0x5], $0x10, s7, s22, $0xb8;
	[tilespmem:$0x1AC00] =	vst v63  }
0x3a: {  	s7 =	simm.s32 $0x400;
	_ =	swait.ge [sflag:s18], $0x1000  }
.LBB2_6:
0x3b: {  	s9 =	sshra.s32 s7, $0x2;
	[sflag:s18] =	ssyncset.done $0x0;
	p2 =	sne.s32 s7, $0x9C00  }
.Ltmp2:
0x3c: {  	s9 =	sadd.s32 $0x16400, s9;
	[sflag:s18] =	ssyncadd.s32 $0xFFFFF000;
	(pc) =	sbr.rel @p2 .LBB2_6-.Ltmp2, $3  }
0x3d: {  	[spmem:s0] =	stream.indirect.scatter.add.f32 [tilespmem:s23], [sflag:$0x5], $0x10, s9, s22, $0xb8;
	[tilespmem:$0x1AC00] =	vst v63  }
0x3e: {  	s7 =	sadd.s32 $0x400, s7;
	_ =	sdelay $0x1  }
0x3f: {  	_ =	swait.ge [sflag:s18], $0x1000  }
0x40: {  	[sflag:s18] =	ssyncset.done $0x0  }
0x41: {  	[sflag:s18] =	ssyncadd.s32 $0xFFFFF000  }
0x42: {  	[bflag:$0x0] =	sbarrier.arrive $0xFFFF  }
0x43: {  	[tilespmem:s26], [sflag:$0x5] =	stream.linear.gather [spmem:s8], $0x2780, $0x38;
	[tilespmem:$0x1AC00] =	vst v63  }
0x44: {  	_ =	swait.ge [sflag:s18], $0x2780  }
0x45: {  	[sflag:s18] =	ssyncset.done $0x0  }
0x46: {  	s5 =	rddreg [dreg:$0x8];
	[sflag:s18] =	ssyncadd.s32 $0xFFFFD880  }
0x47: {  	[hbm4b:s5+s3] =	stream.linear.scatter [tilespmem:s26], [sflag:$0x4], $0x2780, $0x38;
	[tilespmem:$0x1AC00] =	vst v63  }
0x48: {  	_ = 	snop  }
0x49: {  	[spmem:s8] =	stream.linear.scatter [tilespmem:s21], [sflag:$0x5], $0x2780, $0x38;
	[tilespmem:$0x1AC00] =	vst v63  }
0x4a: {  	_ =	swait.ge [sflag:s18], $0x2780  }
0x4b: {  	[sflag:s18] =	ssyncset.done $0x0  }
0x4c: {  	[sflag:s18] =	ssyncadd.s32 $0xFFFFD880  }
0x4d: {  	_ =	swait.ge [sflag:s28], $0x2780  }
0x4e: {  	[sflag:s28] =	ssyncset.done $0x0  }
0x4f: {  	[sflag:s28] =	ssyncadd.s32 $0xFFFFD880  }
0x50: {  	s7 =	simm.s32 @!p0 $0x100000;
	[bflag:$0x0] =	sbarrier.arrive $0xFFFF  }
0x51: {  	[smem:s7], [sflag:$0x0] =	smem.add.s32 @!p0 $0x0;
	s7 =	simm.s32 @!p0 $0x0  }
0x52: {  	_ =	swait.done @!p0 [sflag:s7]  }
0x53: {  	s9 =	ssyncread @!p0 [sflag:$0x0];
	_ =	sdelay $0x2  }
0x54: {  	s9 =	sadd.s32 @!p0 s10, s9  }
0x55: {  	s5 =	rddreg [dreg:$0xc];
	s9 =	sshll.u32 @!p0 s9, $0x11  }
0x56: {  	[sflag:s7] =	ssyncset.s32 @!p0 $0x0;
	s9 =	sor.u32 @!p0 s9, s5  }
0x57: {  	[sflag:s7] =	ssyncset.done @!p0 $0x0;
	s7 =	sor.u32 @!p0 $0x1C03, s9  }
0x58: {  	[sflag:s7] =	ssyncadd.remote.s32 @!p0 $0x1;
	s7 =	simm.s32 @!p0 $0x3  }
0x59: {  	_ =	swait.ge @!p0 [sflag:s7], $0x1  }
0x5a: {  	[sflag:s7] =	ssyncset.done @!p0 $0x0  }
0x5b: {  	[sflag:s7] =	ssyncadd.s32 @!p0 $0xFFFFFFFF  }
0x5c: {  	[bflag:$0x0] =	sbarrier.arrive $0xFFFF  }
0x5d: {  	s19 =	simm.s32 $0x0;
	s24 =	rddreg [dreg:$0x9]  }
0x5e: {  	[tilespmem:s29], [sflag:$0x5] =	stream.linear.gather [hbm4b:s24+s19], $0x2780, $0x38;
	[tilespmem:$0x1AC00] =	vst v63  }
0x5f: {  	_ =	swait.ge [sflag:s18], $0x2780  }
0x60: {  	[sflag:s18] =	ssyncset.done $0x0  }
0x61: {  	s15 =	simm.s32 $0x0;
	[sflag:s18] =	ssyncadd.s32 $0xFFFFD880  }
0x62: {  	v2 =	vld [tilespmem:s15+$0xC580]  }
0x63: {  	v3 =	vld [tilespmem:s15+$0xED00];
	_ =	sdelay $0x4  }
0x64: {  	v2 =	vadd.f32 v3, v2;
	_ =	sdelay $0x1  }
0x65: {  	v3 =	vadd.f32 $1.000000000e+00, v2  }
0x66: {  	s9 =	simm.s32 $0x10  }
0x67: {  	v5 =	vld [tilespmem:s9+$0xED00];
	vm0 =	vge.f32 v3, $2.000000000e+00  }
0x68: {  	v2 =	vld [tilespmem:s9+$0xC580];
	vm1 =	vge.f32 v3, $8.000000000e+00;
	v4 =	vsel vm0, $0x3F000000, v1  }
0x69: {  	vm0 =	vge.f32 v3, $3.200000000e+01;
	v4 =	vsel vm1, $0x3E800000, v4  }
0x6a: {  	vm1 =	vge.f32 v3, $1.280000000e+02;
	v4 =	vsel vm0, $0x3E000000, v4  }
0x6b: {  	vm0 =	vge.f32 v3, $5.120000000e+02;
	v4 =	vsel vm1, $0x3D800000, v4  }
0x6c: {  	vm1 =	vge.f32 v3, $2.048000000e+03;
	v4 =	vsel vm0, $0x3D000000, v4  }
0x6d: {  	v2 =	vadd.f32 v5, v2;
	vm0 =	vge.f32 v3, $8.192000000e+03;
	v4 =	vsel vm1, $0x3C800000, v4  }
0x6e: {  	v9 =	vmul.f32 $5.000000000e-01, v3;
	vm1 =	vge.f32 v3, $3.276800000e+04;
	v4 =	vsel vm0, $0x3C000000, v4  }
0x6f: {  	v2 =	vadd.f32 $1.000000000e+00, v2;
	vm0 =	vge.f32 v3, $1.310720000e+05;
	v4 =	vsel vm1, $0x3B800000, v4  }
0x70: {  	s11 =	simm.s32 $0x20;
	vm12 =	vle.f32 v3, $1.220703130e-04;
	v4 =	vsel vm0, $0x3B000000, v4;
	vm0 =	vge.f32 v3, $5.242880000e+05  }
0x71: {  	v6 =	vld [tilespmem:s11+$0xC580];
	vm2 =	vge.f32 v2, $8.000000000e+00;
	v4 =	vsel vm0, $0x3A800000, v4;
	vm0 =	vge.f32 v2, $2.000000000e+00  }
0x72: {  	v7 =	vld [tilespmem:s11+$0xED00];
	vm3 =	vge.f32 v2, $8.192000000e+03;
	vm1 =	vle.f32 v3, $5.000000000e-01;
	v5 =	vsel vm0, $0x3F000000, v1  }
0x73: {  	v4 =	vsel vm1, $0x40000000, v4;
	vm0 =	vge.f32 v2, $3.200000000e+01;
	v5 =	vsel vm2, $0x3E800000, v5  }
0x74: {  	vm1 =	vle.f32 v3, $1.250000000e-01;
	vm2 =	vge.f32 v2, $1.280000000e+02;
	v5 =	vsel vm0, $0x3E000000, v5  }
0x75: {  	v8 =	vsel vm1, $0x40800000, v4;
	vm0 =	vge.f32 v2, $5.120000000e+02;
	v4 =	vsel vm2, $0x3D800000, v5  }
0x76: {  	vm9 =	vle.f32 v2, $1.220703130e-04;
	vm2 =	vge.f32 v2, $2.048000000e+03;
	v4 =	vsel vm0, $0x3D000000, v4  }
0x77: {  	vm1 =	vle.f32 v3, $1.953125000e-03;
	v5 =	vadd.f32 v7, v6;
	v4 =	vsel vm2, $0x3C800000, v4  }
0x78: {  	vm0 =	vle.f32 v3, $3.125000000e-02;
	vm2 =	vge.f32 v2, $3.276800000e+04;
	v4 =	vsel vm3, $0x3C000000, v4  }
0x79: {  	vm3 =	vle.f32 v3, $7.812500000e-03;
	v4 =	vsel vm2, $0x3B800000, v4;
	vm2 =	vge.f32 v2, $1.310720000e+05  }
0x7a: {  	v6 =	vsel vm2, $0x3B000000, v4;
	vm2 =	vge.f32 v2, $5.242880000e+05;
	v4 =	vadd.f32 $1.000000000e+00, v5  }
0x7b: {  	v5 =	vsel vm0, $0x41000000, v8;
	vm0 =	vle.f32 v2, $5.000000000e-01;
	v6 =	vsel vm2, $0x3A800000, v6  }
0x7c: {  	v5 =	vsel vm3, $0x41800000, v5;
	v6 =	vsel vm0, $0x40000000, v6;
	vm0 =	vge.f32 v4, $2.000000000e+00  }
0x7d: {  	vm2 =	vle.f32 v2, $1.250000000e-01;
	vm3 =	vge.f32 v4, $8.000000000e+00;
	v7 =	vsel vm0, $0x3F000000, v1  }
0x7e: {  	v5 =	vsel vm1, $0x42000000, v5;
	vm0 =	vge.f32 v4, $3.200000000e+01;
	v7 =	vsel vm3, $0x3E800000, v7  }
0x7f: {  	vm1 =	vge.f32 v4, $1.280000000e+02;
	vm4 =	vge.f32 v4, $3.276800000e+04;
	v7 =	vsel vm0, $0x3E000000, v7  }
0x80: {  	v6 =	vsel vm2, $0x40800000, v6;
	vm2 =	vge.f32 v4, $5.120000000e+02;
	v7 =	vsel vm1, $0x3D800000, v7  }
0x81: {  	vm3 =	vge.f32 v4, $8.192000000e+03;
	vm1 =	vge.f32 v4, $2.048000000e+03;
	v7 =	vsel vm2, $0x3D000000, v7  }
0x82: {  	s16 =	simm.s32 $0x30;
	vm0 =	vle.f32 v2, $1.953125000e-03;
	v7 =	vsel vm1, $0x3C800000, v7;
	vm1 =	vle.f32 v2, $3.125000000e-02  }
0x83: {  	v10 =	vld [tilespmem:s16+$0xED00];
	vm2 =	vle.f32 v3, $3.051757810e-05;
	v7 =	vsel vm3, $0x3C000000, v7;
	v6 =	vsel vm1, $0x41000000, v6  }
0x84: {  	v8 =	vld [tilespmem:s16+$0xC580];
	vm1 =	vle.f32 v3, $4.882812500e-04;
	vm3 =	vge.f32 v4, $1.310720000e+05;
	v7 =	vsel vm4, $0x3B800000, v7  }
0x85: {  	v5 =	vsel vm1, $0x42800000, v5;
	vm1 =	vle.f32 v2, $7.812500000e-03;
	v7 =	vsel vm3, $0x3B000000, v7  }
0x86: {  	v5 =	vsel vm12, $0x43000000, v5;
	vm3 =	vge.f32 v4, $5.242880000e+05;
	v6 =	vsel vm1, $0x41800000, v6  }
0x87: {  	vm1 =	vle.f32 v2, $3.051757810e-05;
	v5 =	vsel vm2, $0x43800000, v5;
	vm2 =	vle.f32 v3, $7.629394530e-06  }
0x88: {  	v7 =	vsel vm3, $0x3A800000, v7;
	v5 =	vsel vm2, $0x44000000, v5;
	vm2 =	vle.f32 v3, $1.907348630e-06  }
0x89: {  	vm3 =	vle.f32 v4, $5.000000000e-01;
	v3 =	vadd.f32 v10, v8;
	v11 =	vsel vm2, $0x44800000, v5  }
0x8a: {  	v5 =	vsel vm3, $0x40000000, v7;
	vm2 =	vle.f32 v4, $1.250000000e-01;
	v7 =	vmul.f32 v11, v9  }
0x8b: {  	v6 =	vsel vm0, $0x42000000, v6;
	v8 =	vsel vm2, $0x40800000, v5;
	v5 =	vadd.f32 $1.000000000e+00, v3  }
0x8c: {  	vm0 =	vle.f32 v4, $1.953125000e-03;
	v3 =	vmul.f32 $5.000000000e-01, v2;
	v7 =	vmul.f32 v7, v11  }
0x8d: {  	vm2 =	vge.f32 v5, $2.000000000e+00;
	vm3 =	vge.f32 v5, $8.000000000e+00;
	vm13 =	vge.f32 v5, $1.280000000e+02  }
0x8e: {  	vm14 =	vge.f32 v5, $5.120000000e+02;
	vm15 =	vge.f32 v5, $2.048000000e+03;
	vm8 =	vge.f32 v5, $3.276800000e+04  }
0x8f: {  	vm11 =	vle.f32 v5, $7.812500000e-03;
	v10 =	vsel vm2, $0x3F000000, v1;
	vm2 =	vle.f32 v4, $3.125000000e-02  }
0x90: {  	v7 =	vsub.f32 $1.500000000e+00, v7;
	v10 =	vsel vm3, $0x3E800000, v10;
	vm3 =	vge.f32 v5, $3.200000000e+01  }
0x91: {  	v8 =	vsel vm2, $0x41000000, v8;
	vm2 =	vge.f32 v5, $8.192000000e+03;
	v10 =	vsel vm3, $0x3E000000, v10  }
0x92: {  	s24 =	simm.s32 $0x40;
	vm3 =	vle.f32 v4, $7.812500000e-03;
	v7 =	vmul.f32 v7, v11;
	v10 =	vsel vm13, $0x3D800000, v10  }
0x93: {  	v12 =	vld [tilespmem:s24+$0xC580];
	v8 =	vsel vm3, $0x41800000, v8;
	vm3 =	vle.f32 v2, $4.882812500e-04;
	v10 =	vsel vm14, $0x3D000000, v10  }
0x94: {  	v13 =	vld [tilespmem:s24+$0xED00];
	v6 =	vsel vm3, $0x42800000, v6;
	v8 =	vsel vm0, $0x42000000, v8;
	vm0 =	vle.f32 v4, $3.051757810e-05  }
0x95: {  	vm3 =	vle.f32 v5, $3.125000000e-02;
	v11 =	vmul.f32 v7, v9;
	v10 =	vsel vm15, $0x3C800000, v10  }
0x96: {  	v6 =	vsel vm9, $0x43000000, v6;
	v10 =	vsel vm2, $0x3C000000, v10;
	vm2 =	vge.f32 v5, $1.310720000e+05  }
0x97: {  	v6 =	vsel vm1, $0x43800000, v6;
	vm1 =	vle.f32 v2, $7.629394530e-06;
	v11 =	vmul.f32 v11, v7  }
0x98: {  	v10 =	vsel vm8, $0x3B800000, v10;
	v6 =	vsel vm1, $0x44000000, v6;
	vm1 =	vle.f32 v2, $1.907348630e-06  }
0x99: {  	v2 =	vadd.f32 v13, v12;
	v10 =	vsel vm2, $0x3B000000, v10;
	vm2 =	vge.f32 v5, $5.242880000e+05  }
0x9a: {  	v12 =	vsel vm1, $0x44800000, v6;
	v11 =	vsub.f32 $1.500000000e+00, v11;
	v10 =	vsel vm2, $0x3A800000, v10  }
0x9b: {  	vm2 =	vle.f32 v5, $5.000000000e-01;
	v13 =	vmul.f32 v12, v3;
	v6 =	vadd.f32 $1.000000000e+00, v2  }
0x9c: {  	v10 =	vsel vm2, $0x40000000, v10;
	vm2 =	vle.f32 v5, $1.250000000e-01;
	v7 =	vmul.f32 v11, v7  }
0x9d: {  	v10 =	vsel vm2, $0x40800000, v10;
	v13 =	vmul.f32 v13, v12;
	vm2 =	vge.f32 v6, $2.000000000e+00  }
0x9e: {  	vm10 =	vge.f32 v6, $8.000000000e+00;
	v14 =	vsel vm2, $0x3F000000, v1;
	vm2 =	vge.f32 v6, $3.200000000e+01  }
0x9f: {  	v11 =	vmul.f32 v7, v9;
	v14 =	vsel vm10, $0x3E800000, v14;
	v13 =	vsub.f32 $1.500000000e+00, v13  }
0xa0: {  	vm1 =	vle.f32 v5, $1.953125000e-03;
	v10 =	vsel vm3, $0x41000000, v10;
	v14 =	vsel vm2, $0x3E000000, v14  }
0xa1: {  	vm2 =	vge.f32 v6, $1.280000000e+02;
	v11 =	vmul.f32 v11, v7;
	v12 =	vmul.f32 v13, v12  }
0xa2: {  	vm3 =	vge.f32 v6, $2.048000000e+03;
	v14 =	vsel vm2, $0x3D800000, v14;
	vm2 =	vge.f32 v6, $5.120000000e+02  }
0xa3: {  	v13 =	vsel vm2, $0x3D000000, v14;
	v11 =	vsub.f32 $1.500000000e+00, v11;
	v14 =	vmul.f32 v12, v3  }
0xa4: {  	vm2 =	vge.f32 v6, $8.192000000e+03;
	v13 =	vsel vm3, $0x3C800000, v13;
	vm3 =	vge.f32 v6, $3.276800000e+04  }
0xa5: {  	v7 =	vmul.f32 v11, v7;
	v11 =	vsel vm2, $0x3C000000, v13;
	v13 =	vmul.f32 v14, v12  }
0xa6: {  	v2 =	vmul.f32 $5.000000000e-01, v4;
	vm2 =	vge.f32 v6, $1.310720000e+05;
	v11 =	vsel vm3, $0x3B800000, v11  }
0xa7: {  	v11 =	vsel vm2, $0x3B000000, v11;
	vm2 =	vge.f32 v6, $5.242880000e+05;
	v13 =	vsub.f32 $1.500000000e+00, v13  }
0xa8: {  	s7 =	simm.s32 $0x50;
	v14 =	vmul.f32 v7, v9;
	v11 =	vsel vm2, $0x3A800000, v11;
	vm2 =	vle.f32 v6, $5.000000000e-01  }
0xa9: {  	v15 =	vld [tilespmem:s7+$0xED00];
	v11 =	vsel vm2, $0x40000000, v11;
	vm2 =	vle.f32 v6, $1.250000000e-01;
	v12 =	vmul.f32 v13, v12  }
0xaa: {  	v13 =	vld [tilespmem:s7+$0xC580];
	v14 =	vmul.f32 v14, v7;
	v11 =	vsel vm2, $0x40800000, v11;
	vm2 =	vle.f32 v4, $4.882812500e-04  }
0xab: {  	v10 =	vsel vm11, $0x41800000, v10;
	vm3 =	vle.f32 v4, $1.220703130e-04;
	v16 =	vsel vm2, $0x42800000, v8  }
0xac: {  	v8 =	vsel vm1, $0x42000000, v10;
	v60 =	vmul.f32 v12, v3;
	v14 =	vsub.f32 $1.500000000e+00, v14  }
0xad: {  	vm1 =	vle.f32 v6, $1.953125000e-03;
	vm2 =	vle.f32 v6, $3.125000000e-02;
	v10 =	vsel vm3, $0x43000000, v16  }
0xae: {  	v10 =	vsel vm0, $0x43800000, v10;
	vm0 =	vle.f32 v4, $7.629394530e-06;
	v14 =	vmul.f32 v14, v7  }
0xaf: {  	v10 =	vsel vm0, $0x44000000, v10;
	vm0 =	vle.f32 v4, $1.907348630e-06;
	v7 =	vadd.f32 v15, v13  }
0xb0: {  	v16 =	vmul.f32 v60, v12;
	v17 =	vsel vm0, $0x44800000, v10;
	v15 =	vmul.f32 v14, v9  }
0xb1: {  	vm3 =	vle.f32 v6, $7.812500000e-03;
	v10 =	vmul.f32 v17, v2;
	v7 =	vadd.f32 $1.000000000e+00, v7  }
0xb2: {  	v11 =	vsel vm2, $0x41000000, v11;
	v13 =	vsub.f32 $1.500000000e+00, v16;
	v15 =	vmul.f32 v15, v14  }
0xb3: {  	v61 =	vmul.f32 v10, v17;
	vm2 =	vge.f32 v7, $2.000000000e+00;
	vm12 =	vge.f32 v7, $8.000000000e+00  }
0xb4: {  	v10 =	vmul.f32 v13, v12;
	v12 =	vsel vm2, $0x3F000000, v1;
	v13 =	vsub.f32 $1.500000000e+00, v15  }
0xb5: {  	vm13 =	vge.f32 v7, $3.200000000e+01;
	v12 =	vsel vm12, $0x3E800000, v12;
	v15 =	vsub.f32 $1.500000000e+00, v61  }
0xb6: {  	vm2 =	vge.f32 v7, $1.280000000e+02;
	v12 =	vsel vm13, $0x3E000000, v12;
	v13 =	vmul.f32 v13, v14  }
0xb7: {  	vm14 =	vge.f32 v7, $5.120000000e+02;
	v12 =	vsel vm2, $0x3D800000, v12;
	v15 =	vmul.f32 v15, v17  }
0xb8: {  	vm2 =	vge.f32 v7, $2.048000000e+03;
	v12 =	vsel vm14, $0x3D000000, v12;
	v9 =	vmul.f32 v13, v9  }
0xb9: {  	vm15 =	vge.f32 v7, $8.192000000e+03;
	v12 =	vsel vm2, $0x3C800000, v12;
	v14 =	vmul.f32 v15, v2  }
0xba: {  	vm2 =	vge.f32 v7, $3.276800000e+04;
	v12 =	vsel vm15, $0x3C000000, v12;
	v9 =	vmul.f32 v9, v13  }
0xbb: {  	v12 =	vsel vm2, $0x3B800000, v12;
	vm2 =	vge.f32 v7, $1.310720000e+05;
	v14 =	vmul.f32 v14, v15  }
0xbc: {  	v11 =	vsel vm3, $0x41800000, v11;
	v4 =	vmul.f32 $5.000000000e-01, v5;
	v12 =	vsel vm2, $0x3B000000, v12  }
0xbd: {  	vm2 =	vge.f32 v7, $5.242880000e+05;
	v9 =	vsub.f32 $1.500000000e+00, v9;
	v62 =	vsub.f32 $1.500000000e+00, v14;
	v14 =	vld [tilespmem:s15+$0x9E00]  }
0xbe: {  	vm0 =	vle.f32 v5, $3.051757810e-05;
	v12 =	vsel vm2, $0x3A800000, v12;
	vm2 =	vle.f32 v7, $5.000000000e-01  }
0xbf: {  	v63 =	vsel vm2, $0x40000000, v12;
	vm2 =	vle.f32 v7, $1.250000000e-01;
	v12 =	vmul.f32 v9, v13  }
0xc0: {  	s19 =	simm.s32 $0x180;
	v13 =	vsel vm1, $0x42000000, v11;
	v9 =	vsel vm2, $0x40800000, v63;
	v11 =	vmul.f32 v62, v15  }
.LBB2_8:
0xc1: {  	s5 =	sshra.s32 s19, $0x2;
	p2 =	sne.s32 s19, $0x9DC0;
	s19 =	sadd.s32 $0x40, s19;
	vm1 =	vle.f32 v5, $1.220703130e-04;
	v15 =	vmul.f32 v10, v3;
	v16 =	vmul.f32 $1.000000010e-01, v12  }
0xc2: {  	vm2 =	vle.f32 v5, $4.882812500e-04;
	v18 =	vmul.f32 $8.999999760e-01, v12;
	v17 =	vld [tilespmem:s5+$0xC580];
	v19 =	vmul.f32 v12, v14  }
0xc3: {  	v21 =	vsel vm2, $0x42800000, v8;
	v8 =	vmovc v13;
	v20 =	vld [tilespmem:s5+$0xED00];
	v15 =	vmul.f32 v15, v10;
	v14 =	vmul.f32 v16, v14  }
0xc4: {  	v13 =	vsel vm1, $0x43000000, v21;
	v16 =	vmul.f32 v11, v2;
	v12 =	vmul.f32 v18, v12;
	[tilespmem:s15+$0x9E00] =	vst v19  }
0xc5: {  	v13 =	vsel vm0, $0x43800000, v13;
	vm0 =	vle.f32 v5, $7.629394530e-06;
	v15 =	vsub.f32 $1.500000000e+00, v15;
	[tilespmem:s15+$0x7680] =	vst v14  }
0xc6: {  	v13 =	vsel vm0, $0x44000000, v13;
	vm0 =	vle.f32 v5, $1.907348630e-06;
	v14 =	vmul.f32 v16, v11;
	v5 =	vmovc v6;
	v6 =	vmovc v7;
	[tilespmem:s15+$0x4F00] =	vst v12;
	s15 =	smov.u32 s9;
	s9 =	smov.u32 s11;
	s11 =	smov.u32 s16  }
0xc7: {  	v12 =	vmul.f32 $5.000000000e-01, v5;
	v13 =	vsel vm0, $0x44800000, v13;
	s16 =	smov.u32 s24;
	s24 =	smov.u32 s7;
	s7 =	smov.u32 s5;
	v15 =	vmul.f32 v15, v10  }
0xc8: {  	v10 =	vmul.f32 v13, v4;
	v14 =	vsub.f32 $1.500000000e+00, v14;
	v7 =	vadd.f32 v20, v17  }
0xc9: {  	vm1 =	vle.f32 v6, $1.953125000e-03;
	vm0 =	vle.f32 v5, $3.051757810e-05;
	v16 =	vmul.f32 v15, v3  }
0xca: {  	vm3 =	vle.f32 v6, $3.125000000e-02;
	vm2 =	vle.f32 v6, $7.812500000e-03;
	v7 =	vadd.f32 $1.000000000e+00, v7  }
0xcb: {  	v9 =	vsel vm3, $0x41000000, v9;
	v17 =	vmul.f32 v10, v13;
	v16 =	vmul.f32 v16, v15  }
0xcc: {  	v10 =	vmul.f32 v14, v11;
	vm3 =	vge.f32 v7, $2.000000000e+00;
	vm4 =	vge.f32 v7, $8.000000000e+00  }
0xcd: {  	v11 =	vsel vm3, $0x3F000000, v1;
	vm3 =	vge.f32 v7, $1.280000000e+02;
	v14 =	vsub.f32 $1.500000000e+00, v16  }
0xce: {  	v16 =	vsub.f32 $1.500000000e+00, v17;
	v11 =	vsel vm4, $0x3E800000, v11;
	vm4 =	vge.f32 v7, $3.200000000e+01  }
0xcf: {  	v11 =	vsel vm4, $0x3E000000, v11;
	vm4 =	vge.f32 v7, $5.120000000e+02;
	v15 =	vmul.f32 v14, v15  }
0xd0: {  	v16 =	vmul.f32 v16, v13;
	v11 =	vsel vm3, $0x3D800000, v11;
	vm3 =	vge.f32 v7, $2.048000000e+03  }
0xd1: {  	v11 =	vsel vm4, $0x3D000000, v11;
	vm4 =	vge.f32 v7, $8.192000000e+03;
	v13 =	vmul.f32 v15, v3;
	v3 =	vmovc v2;
	v2 =	vmovc v4  }
0xd2: {  	v4 =	vmovc v12;
	v11 =	vsel vm3, $0x3C800000, v11;
	vm3 =	vge.f32 v7, $3.276800000e+04;
	v14 =	vmul.f32 v16, v2  }
0xd3: {  	v17 =	vsel vm2, $0x41800000, v9;
	v11 =	vsel vm4, $0x3C000000, v11;
	v9 =	vmul.f32 v13, v15  }
.Ltmp3:
0xd4: {  	vm2 =	vge.f32 v7, $1.310720000e+05;
	v11 =	vsel vm3, $0x3B800000, v11;
	v12 =	vmul.f32 v14, v16;
	(pc) =	sbr.rel @p2 .LBB2_8-.Ltmp3, $4  }
0xd5: {  	v11 =	vsel vm2, $0x3B000000, v11;
	vm2 =	vge.f32 v7, $5.242880000e+05;
	v9 =	vsub.f32 $1.500000000e+00, v9;
	v14 =	vld [tilespmem:s15+$0x9E00]  }
0xd6: {  	v11 =	vsel vm2, $0x3A800000, v11;
	vm2 =	vle.f32 v7, $5.000000000e-01;
	v18 =	vsub.f32 $1.500000000e+00, v12  }
0xd7: {  	v11 =	vsel vm2, $0x40000000, v11;
	vm2 =	vle.f32 v7, $1.250000000e-01;
	v12 =	vmul.f32 v9, v15  }
0xd8: {  	v13 =	vsel vm1, $0x42000000, v17;
	v9 =	vsel vm2, $0x40800000, v11;
	v11 =	vmul.f32 v18, v16  }
0xd9: {  	vm1 =	vle.f32 v5, $4.882812500e-04  }
0xda: {  	vm2 =	vle.f32 v5, $1.220703130e-04;
	v8 =	vsel vm1, $0x42800000, v8  }
0xdb: {  	v15 =	vmul.f32 v10, v3;
	vm12 =	vle.f32 v5, $7.629394530e-06;
	v8 =	vsel vm2, $0x43000000, v8  }
0xdc: {  	vm13 =	vle.f32 v5, $1.907348630e-06;
	v48 =	vmul.f32 $1.000000010e-01, v12;
	v8 =	vsel vm0, $0x43800000, v8  }
0xdd: {  	v16 =	vmul.f32 $8.999999760e-01, v12;
	v15 =	vmul.f32 v15, v10;
	v8 =	vsel vm12, $0x44000000, v8  }
0xde: {  	v5 =	vmul.f32 $5.000000000e-01, v6;
	vm14 =	vle.f32 v7, $1.953125000e-03;
	v8 =	vsel vm13, $0x44800000, v8  }
0xdf: {  	vm15 =	vle.f32 v6, $3.051757810e-05;
	v15 =	vsub.f32 $1.500000000e+00, v15;
	v49 =	vmul.f32 v8, v4  }
0xe0: {  	vm6 =	vle.f32 v6, $4.882812500e-04;
	vm3 =	vle.f32 v6, $1.220703130e-04;
	vm7 =	vle.f32 v7, $3.125000000e-02  }
0xe1: {  	vm8 =	vle.f32 v6, $7.629394530e-06;
	v47 =	vmul.f32 v15, v10;
	v15 =	vmul.f32 v49, v8  }
0xe2: {  	vm9 =	vle.f32 v6, $1.907348630e-06;
	vm10 =	vle.f32 v7, $7.812500000e-03;
	v18 =	vmul.f32 v11, v2  }
0xe3: {  	v62 =	vmul.f32 $5.000000000e-01, v7;
	v17 =	vmul.f32 v47, v3;
	v15 =	vsub.f32 $1.500000000e+00, v15  }
0xe4: {  	vm11 =	vle.f32 v7, $4.882812500e-04;
	v50 =	vmul.f32 v12, v14;
	v18 =	vmul.f32 v18, v11  }
0xe5: {  	v13 =	vsel vm6, $0x42800000, v13;
	v17 =	vmul.f32 v17, v47;
	v8 =	vmul.f32 v15, v8  }
0xe6: {  	v19 =	vmul.f32 v48, v14;
	v13 =	vsel vm3, $0x43000000, v13;
	v53 =	vsub.f32 $1.500000000e+00, v18  }
0xe7: {  	v13 =	vsel vm15, $0x43800000, v13;
	v52 =	vsub.f32 $1.500000000e+00, v17;
	v15 =	vmul.f32 v8, v4  }
0xe8: {  	v51 =	vmul.f32 v16, v12;
	v13 =	vsel vm8, $0x44000000, v13;
	v54 =	vmul.f32 v53, v11  }
0xe9: {  	v13 =	vsel vm9, $0x44800000, v13;
	v10 =	vmul.f32 v52, v47;
	v15 =	vmul.f32 v15, v8  }
0xea: {  	v9 =	vsel vm7, $0x41000000, v9;
	v57 =	vmul.f32 v13, v5;
	v56 =	vmul.f32 v54, v2  }
0xeb: {  	v58 =	vsel vm10, $0x41800000, v9;
	v3 =	vmul.f32 v10, v3;
	v55 =	vsub.f32 $1.500000000e+00, v15  }
0xec: {  	vm12 =	vle.f32 v7, $1.220703130e-04;
	v60 =	vmul.f32 v57, v13;
	v59 =	vmul.f32 v56, v54  }
0xed: {  	vm13 =	vle.f32 v7, $3.051757810e-05;
	v3 =	vmul.f32 v3, v10;
	v6 =	vmul.f32 v55, v8  }
0xee: {  	v9 =	vsub.f32 $1.500000000e+00, v59;
	v15 =	vsub.f32 $1.500000000e+00, v60;
	v8 =	vsel vm14, $0x42000000, v58  }
0xef: {  	v3 =	vsub.f32 $1.500000000e+00, v3;
	v8 =	vsel vm11, $0x42800000, v8;
	v61 =	vmul.f32 v6, v4  }
0xf0: {  	v13 =	vmul.f32 v15, v13;
	vm14 =	vle.f32 v7, $7.629394530e-06;
	v8 =	vsel vm12, $0x43000000, v8  }
0xf1: {  	[tilespmem:s15+$0x9E00] =	vst v50;
	v3 =	vmul.f32 v3, v10;
	v8 =	vsel vm13, $0x43800000, v8;
	v10 =	vmul.f32 v61, v6  }
0xf2: {  	vm15 =	vle.f32 v7, $1.907348630e-06;
	[tilespmem:s15+$0x7680] =	vst v19;
	v15 =	vmul.f32 v13, v5;
	v8 =	vsel vm14, $0x44000000, v8  }
0xf3: {  	[tilespmem:s15+$0x4F00] =	vst v51;
	v63 =	vmul.f32 v9, v54;
	v8 =	vsel vm15, $0x44800000, v8;
	v20 =	vsub.f32 $1.500000000e+00, v10  }
0xf4: {  	v21 =	vld [tilespmem:s9+$0x9E00];
	v22 =	vmul.f32 v15, v13;
	v23 =	vmul.f32 v8, v62  }
0xf5: {  	v24 =	vmul.f32 v63, v2;
	v6 =	vmul.f32 v20, v6  }
0xf6: {  	v25 =	vmul.f32 $1.000000010e-01, v3;
	v11 =	vsub.f32 $1.500000000e+00, v22;
	v12 =	vmul.f32 v23, v8  }
0xf7: {  	v15 =	vmul.f32 v24, v63;
	v26 =	vmul.f32 v6, v4  }
0xf8: {  	v27 =	vmul.f32 $8.999999760e-01, v3;
	v11 =	vmul.f32 v11, v13;
	v12 =	vsub.f32 $1.500000000e+00, v12  }
0xf9: {  	v28 =	vmul.f32 v3, v21;
	v15 =	vsub.f32 $1.500000000e+00, v15;
	v16 =	vmul.f32 v26, v6  }
0xfa: {  	v29 =	vmul.f32 v11, v5;
	v8 =	vmul.f32 v12, v8  }
0xfb: {  	v9 =	vmul.f32 v25, v21;
	v7 =	vmul.f32 v15, v63;
	v30 =	vsub.f32 $1.500000000e+00, v16  }
0xfc: {  	v31 =	vmul.f32 v29, v11;
	v32 =	vmul.f32 v8, v62  }
0xfd: {  	v2 =	vmul.f32 v7, v2;
	v6 =	vmul.f32 v30, v6  }
0xfe: {  	v3 =	vmul.f32 v27, v3;
	v33 =	vsub.f32 $1.500000000e+00, v31;
	v34 =	vmul.f32 v32, v8  }
0xff: {  	[tilespmem:s9+$0x9E00] =	vst v28;
	v2 =	vmul.f32 v2, v7;
	v35 =	vmul.f32 v6, v4  }
0x100: {  	[tilespmem:s9+$0x7680] =	vst v9;
	v36 =	vmul.f32 v33, v11;
	v37 =	vsub.f32 $1.500000000e+00, v34  }
0x101: {  	[tilespmem:s9+$0x4F00] =	vst v3;
	v2 =	vsub.f32 $1.500000000e+00, v2;
	v3 =	vmul.f32 v35, v6  }
0x102: {  	v38 =	vld [tilespmem:s11+$0x9E00];
	v39 =	vmul.f32 v36, v5;
	v8 =	vmul.f32 v37, v8  }
0x103: {  	v2 =	vmul.f32 v2, v7;
	v3 =	vsub.f32 $1.500000000e+00, v3  }
0x104: {  	v40 =	vmul.f32 v39, v36;
	v41 =	vmul.f32 v8, v62  }
0x105: {  	v42 =	vmul.f32 $1.000000010e-01, v2;
	v3 =	vmul.f32 v3, v6  }
0x106: {  	v43 =	vmul.f32 $8.999999760e-01, v2;
	v7 =	vsub.f32 $1.500000000e+00, v40;
	v10 =	vmul.f32 v41, v8  }
0x107: {  	v44 =	vmul.f32 v2, v38;
	v45 =	vmul.f32 v3, v4  }
0x108: {  	v11 =	vmul.f32 v42, v38;
	v7 =	vmul.f32 v7, v36;
	v46 =	vsub.f32 $1.500000000e+00, v10  }
0x109: {  	v2 =	vmul.f32 v43, v2;
	[tilespmem:s11+$0x9E00] =	vst v44;
	v4 =	vmul.f32 v45, v3  }
0x10a: {  	[tilespmem:s11+$0x7680] =	vst v11;
	v47 =	vmul.f32 v7, v5;
	v8 =	vmul.f32 v46, v8  }
0x10b: {  	[tilespmem:s11+$0x4F00] =	vst v2;
	v2 =	vsub.f32 $1.500000000e+00, v4  }
0x10c: {  	v48 =	vld [tilespmem:s16+$0x9E00];
	v6 =	vmul.f32 v47, v7;
	v9 =	vmul.f32 v8, v62  }
0x10d: {  	v2 =	vmul.f32 v2, v3  }
0x10e: {  	v3 =	vsub.f32 $1.500000000e+00, v6;
	v49 =	vmul.f32 v9, v8  }
0x10f: {  	v50 =	vmul.f32 $1.000000010e-01, v2  }
0x110: {  	v51 =	vmul.f32 $8.999999760e-01, v2;
	v3 =	vmul.f32 v3, v7;
	v6 =	vsub.f32 $1.500000000e+00, v49  }
0x111: {  	v52 =	vmul.f32 v2, v48;
	v4 =	vmul.f32 v50, v48  }
0x112: {  	v5 =	vmul.f32 v3, v5;
	v6 =	vmul.f32 v6, v8  }
0x113: {  	v2 =	vmul.f32 v51, v2;
	[tilespmem:s16+$0x9E00] =	vst v52  }
0x114: {  	[tilespmem:s16+$0x7680] =	vst v4;
	v53 =	vmul.f32 v5, v3;
	v54 =	vmul.f32 v6, v62  }
0x115: {  	[tilespmem:s16+$0x4F00] =	vst v2  }
0x116: {  	v55 =	vld [tilespmem:s24+$0x9E00];
	v2 =	vsub.f32 $1.500000000e+00, v53;
	v5 =	vmul.f32 v54, v6;
	_ =	sdelay $0x1  }
0x117: {  	v2 =	vmul.f32 v2, v3;
	v3 =	vsub.f32 $1.500000000e+00, v5;
	_ =	sdelay $0x1  }
0x118: {  	v56 =	vmul.f32 $1.000000010e-01, v2;
	v3 =	vmul.f32 v3, v6  }
0x119: {  	v57 =	vmul.f32 $8.999999760e-01, v2;
	v58 =	vmul.f32 v2, v55  }
0x11a: {  	v4 =	vmul.f32 v56, v55;
	v59 =	vmul.f32 v3, v62  }
0x11b: {  	v2 =	vmul.f32 v57, v2;
	[tilespmem:s24+$0x9E00] =	vst v58  }
0x11c: {  	[tilespmem:s24+$0x7680] =	vst v4;
	v60 =	vmul.f32 v59, v3  }
0x11d: {  	[tilespmem:s24+$0x4F00] =	vst v2  }
0x11e: {  	v61 =	vld [tilespmem:s7+$0x9E00];
	v2 =	vsub.f32 $1.500000000e+00, v60;
	_ =	sdelay $0x1  }
0x11f: {  	v2 =	vmul.f32 v2, v3;
	_ =	sdelay $0x1  }
0x120: {  	v3 =	vmul.f32 $1.000000010e-01, v2  }
0x121: {  	v62 =	vmul.f32 $8.999999760e-01, v2;
	v63 =	vmul.f32 v2, v61  }
0x122: {  	v3 =	vmul.f32 v3, v61  }
0x123: {  	v2 =	vmul.f32 v62, v2;
	[tilespmem:s7+$0x9E00] =	vst v63  }
0x124: {  	[tilespmem:s7+$0x7680] =	vst v3  }
0x125: {  	[tilespmem:s7+$0x4F00] =	vst v2  }
0x126: {  	[spmem:s12] =	stream.linear.scatter [tilespmem:s20], [sflag:$0x5], $0x2780, $0x38;
	[tilespmem:$0x1AC00] =	vst v63  }
0x127: {  	_ =	swait.ge [sflag:s18], $0x2780  }
0x128: {  	[sflag:s18] =	ssyncset.done $0x0  }
0x129: {  	s15 =	simm.s32 $0x16300;
	[sflag:s18] =	ssyncadd.s32 $0xFFFFD880  }
0x12a: {  	s16 =	simm.s32 $0x18A00;
	s7 =	simm.s32 $0x0;
	[bflag:$0x0] =	sbarrier.arrive $0xFFFF  }
.LBB2_10:
0x12b: {  	[tilespmem:s23], [sflag:$0x1] =	stream.indirect.gather [spmem:s2], $0x10, s17, s22, $0xb8;
	[tilespmem:$0x1AC00] =	vst v63  }
0x12c: {  	_ =	swait.ge [sflag:s30], $0x1000  }
0x12d: {  	[sflag:s30] =	ssyncset.done $0x0  }
0x12e: {  	s5 =	simm.s32 $0x13D00;
	[sflag:s30] =	ssyncadd.s32 $0xFFFFF000  }
0x12f: {  	[tilespmem:s31], [sflag:$0x1] =	stream.indirect.gather [spmem:s2], $0x10, s5, s22, $0xb8;
	[tilespmem:$0x1AC00] =	vst v63  }
0x130: {  	s11 =	simm.s32 $0x16400  }
0x131: {  	[spmem:s0] =	stream.indirect.scatter.add.f32 [tilespmem:s23], [sflag:$0x2], $0x10, s11, s22, $0xb8;
	[tilespmem:$0x1AC00] =	vst v63  }
0x132: {  	_ =	swait.ge [sflag:s30], $0x1000  }
0x133: {  	[sflag:s30] =	ssyncset.done $0x0  }
0x134: {  	[sflag:s30] =	ssyncadd.s32 $0xFFFFF000  }
0x135: {  	_ =	swait.ge [sflag:s1], $0x1000  }
0x136: {  	[sflag:s1] =	ssyncset.done $0x0  }
0x137: {  	s19 =	simm.s32 $0x13E00;
	[sflag:s1] =	ssyncadd.s32 $0xFFFFF000  }
0x138: {  	[tilespmem:s23], [sflag:$0x1] =	stream.indirect.gather [spmem:s2], $0x10, s19, s22, $0xb8;
	[tilespmem:$0x1AC00] =	vst v63  }
0x139: {  	s24 =	simm.s32 $0x16500  }
0x13a: {  	[spmem:s0] =	stream.indirect.scatter.add.f32 [tilespmem:s31], [sflag:$0x2], $0x10, s24, s22, $0xb8;
	[tilespmem:$0x1AC00] =	vst v63  }
0x13b: {  	_ =	swait.ge [sflag:s1], $0x1000  }
0x13c: {  	s9 =	simm.s32 $0x800;
	[sflag:s1] =	ssyncset.done $0x0  }
.LBB2_11:
0x13d: {  	p2 =	sne.s32 s9, $0x9000  }
0x13e: {  	[sflag:s1] =	ssyncadd.s32 $0xFFFFF000;
	s5 =	smov.u32 s9;
	s9 =	sadd.s32 $0x800, s9  }
0x13f: {  	_ = 	snop  }
0x140: {  	_ =	swait.ge [sflag:s30], $0x1000  }
0x141: {  	s5 =	sshra.s32 s5, $0x2;
	[sflag:s30] =	ssyncset.done $0x0  }
0x142: {  	s11 =	sadd.s32 $0x13D00, s5;
	[sflag:s30] =	ssyncadd.s32 $0xFFFFF000  }
0x143: {  	[tilespmem:s31], [sflag:$0x1] =	stream.indirect.gather [spmem:s2], $0x10, s11, s22, $0xb8;
	[tilespmem:$0x1AC00] =	vst v63  }
0x144: {  	s11 =	sadd.s32 $0x16400, s5  }
0x145: {  	[spmem:s0] =	stream.indirect.scatter.add.f32 [tilespmem:s23], [sflag:$0x2], $0x10, s11, s22, $0xb8;
	[tilespmem:$0x1AC00] =	vst v63  }
0x146: {  	_ =	swait.ge [sflag:s30], $0x1000  }
0x147: {  	[sflag:s30] =	ssyncset.done $0x0  }
0x148: {  	[sflag:s30] =	ssyncadd.s32 $0xFFFFF000  }
0x149: {  	_ =	swait.ge [sflag:s1], $0x1000  }
0x14a: {  	[sflag:s1] =	ssyncset.done $0x0  }
0x14b: {  	s11 =	sadd.s32 $0x13E00, s5;
	[sflag:s1] =	ssyncadd.s32 $0xFFFFF000  }
0x14c: {  	[tilespmem:s23], [sflag:$0x1] =	stream.indirect.gather [spmem:s2], $0x10, s11, s22, $0xb8;
	[tilespmem:$0x1AC00] =	vst v63  }
.Ltmp4:
0x14d: {  	_ = 	snop;
	(pc) =	sbr.rel @p2 .LBB2_11-.Ltmp4, $4  }
0x14e: {  	s5 =	sadd.s32 $0x16500, s5  }
0x14f: {  	[spmem:s0] =	stream.indirect.scatter.add.f32 [tilespmem:s31], [sflag:$0x2], $0x10, s5, s22, $0xb8;
	[tilespmem:$0x1AC00] =	vst v63  }
0x150: {  	_ =	swait.ge [sflag:s1], $0x1000  }
0x151: {  	[sflag:s1] =	ssyncset.done $0x0  }
0x152: {  	[sflag:s1] =	ssyncadd.s32 $0xFFFFF000  }
0x153: {  	_ =	swait.ge [sflag:s30], $0x1000  }
0x154: {  	[sflag:s30] =	ssyncset.done $0x0  }
0x155: {  	[sflag:s30] =	ssyncadd.s32 $0xFFFFF000  }
0x156: {  	[tilespmem:s31], [sflag:$0x1] =	stream.indirect.gather [spmem:s2], $0x10, s15, s22, $0xb8;
	[tilespmem:$0x1AC00] =	vst v63  }
0x157: {  	_ = 	snop  }
0x158: {  	[spmem:s0] =	stream.indirect.scatter.add.f32 [tilespmem:s23], [sflag:$0x2], $0x10, s16, s22, $0xb8;
	[tilespmem:$0x1AC00] =	vst v63  }
0x159: {  	_ =	swait.ge [sflag:s30], $0x1000  }
0x15a: {  	[sflag:s30] =	ssyncset.done $0x0  }
0x15b: {  	[sflag:s30] =	ssyncadd.s32 $0xFFFFF000  }
0x15c: {  	_ =	swait.ge [sflag:s1], $0x1000  }
0x15d: {  	[sflag:s1] =	ssyncset.done $0x0  }
0x15e: {  	[sflag:s1] =	ssyncadd.s32 $0xFFFFF000  }
0x15f: {  	[spmem:s0] =	stream.indirect.scatter.add.f32 [tilespmem:s31], [sflag:$0x2], $0x10, s6, s22, $0xb8;
	[tilespmem:$0x1AC00] =	vst v63  }
0x160: {  	_ =	swait.ge [sflag:s1], $0x1000  }
0x161: {  	s5 =	sand.u32 $0x1, s7;
	[sflag:s1] =	ssyncset.done $0x0  }
0x162: {  	p2 =	seq.s32 s5, $0x1;
	s5 =	simm.s32 $0x4F000;
	[sflag:s1] =	ssyncadd.s32 $0xFFFFF000  }
0x163: {  	s5 =	simm.s32 @!p2 $0x0;
	[bflag:$0x0] =	sbarrier.arrive $0xFFFF  }
0x164: {  	[tilespmem:s26], [sflag:$0x5] =	stream.linear.gather [spmem:s8], $0x2780, $0x38;
	[tilespmem:$0x1AC00] =	vst v63  }
0x165: {  	s9 =	sadd.s32 s5, s13;
	_ =	swait.ge [sflag:s18], $0x2780  }
0x166: {  	s9 =	sshrl.u32 s9, $0x3;
	[sflag:s18] =	ssyncset.done $0x0  }
0x167: {  	s9 =	sadd.s32 s4, s9;
	[sflag:s18] =	ssyncadd.s32 $0xFFFFD880  }
0x168: {  	[hbm4b:s9+s3] =	stream.linear.scatter [tilespmem:s26], [sflag:$0x4], $0x2780, $0x38;
	[tilespmem:$0x1AC00] =	vst v63  }
0x169: {  	_ = 	snop  }
0x16a: {  	[spmem:s8] =	stream.linear.scatter [tilespmem:s21], [sflag:$0x5], $0x2780, $0x38;
	[tilespmem:$0x1AC00] =	vst v63  }
0x16b: {  	_ =	swait.ge [sflag:s18], $0x2780  }
0x16c: {  	[sflag:s18] =	ssyncset.done $0x0  }
0x16d: {  	[sflag:s18] =	ssyncadd.s32 $0xFFFFD880  }
0x16e: {  	_ =	swait.ge [sflag:s28], $0x2780  }
0x16f: {  	[sflag:s28] =	ssyncset.done $0x0  }
0x170: {  	[sflag:s28] =	ssyncadd.s32 $0xFFFFD880  }
0x171: {  	s9 =	simm.s32 @!p0 $0x100000;
	[bflag:$0x0] =	sbarrier.arrive $0xFFFF  }
0x172: {  	[smem:s9], [sflag:$0x0] =	smem.add.s32 @!p0 $0x0;
	s9 =	simm.s32 @!p0 $0x0  }
0x173: {  	_ =	swait.done @!p0 [sflag:s9]  }
0x174: {  	s11 =	ssyncread @!p0 [sflag:$0x0];
	_ =	sdelay $0x2  }
0x175: {  	s11 =	sadd.s32 @!p0 s10, s11  }
0x176: {  	s11 =	sshll.u32 @!p0 s11, $0x11  }
0x177: {  	[sflag:s9] =	ssyncset.s32 @!p0 $0x0;
	s11 =	sor.u32 @!p0 s11, s25  }
0x178: {  	[sflag:s9] =	ssyncset.done @!p0 $0x0;
	s9 =	sor.u32 @!p0 $0x1C03, s11  }
0x179: {  	[sflag:s9] =	ssyncadd.remote.s32 @!p0 $0x1;
	s9 =	simm.s32 @!p0 $0x3  }
0x17a: {  	_ =	swait.ge @!p0 [sflag:s9], $0x1  }
0x17b: {  	s5 =	sadd.s32 s5, s14;
	[sflag:s9] =	ssyncset.done @!p0 $0x0  }
0x17c: {  	s5 =	sshrl.u32 s5, $0x3;
	[sflag:s9] =	ssyncadd.s32 @!p0 $0xFFFFFFFF  }
0x17d: {  	s24 =	simm.s32 $0x0;
	s5 =	sadd.s32 s4, s5;
	[bflag:$0x0] =	sbarrier.arrive $0xFFFF  }
0x17e: {  	[tilespmem:s29], [sflag:$0x5] =	stream.linear.gather [hbm4b:s5+s24], $0x2780, $0x38;
	[tilespmem:$0x1AC00] =	vst v63  }
0x17f: {  	_ =	swait.ge [sflag:s18], $0x2780  }
0x180: {  	[sflag:s18] =	ssyncset.done $0x0  }
0x181: {  	s9 =	simm.s32 $0x0;
	[sflag:s18] =	ssyncadd.s32 $0xFFFFD880  }
0x182: {  	v4 =	vld [tilespmem:s9+$0x7680]  }
0x183: {  	v2 =	vld [tilespmem:s9+$0x7690]  }
0x184: {  	v5 =	vld [tilespmem:s9+$0x4F00]  }
0x185: {  	v3 =	vld [tilespmem:s9+$0x4F10]  }
0x186: {  	v6 =	vld [tilespmem:s9+$0xC580]  }
0x187: {  	v8 =	vld [tilespmem:s9+$0xED00]  }
0x188: {  	v9 =	vld [tilespmem:s9+$0xC590]  }
0x189: {  	v13 =	vld [tilespmem:s9+$0xED10]  }
0x18a: {  	v10 =	vld [tilespmem:s9+$0xC5A0]  }
0x18b: {  	v12 =	vld [tilespmem:s9+$0xED20]  }
0x18c: {  	v7 =	vld [tilespmem:s9+$0xC5B0]  }
0x18d: {  	v11 =	vld [tilespmem:s9+$0xED30]  }
0x18e: {  	s11 =	simm.s32 $0x100;
	v14 =	vld [tilespmem:s9+$0x9E00]  }
.LBB2_13:
0x18f: {  	p2 =	sne.s32 s11, $0x9D00;
	v15 =	vld [tilespmem:s9+$0x9E10]  }
0x190: {  	v16 =	vld [tilespmem:s9+$0x9E20]  }
0x191: {  	v6 =	vadd.f32 v8, v6;
	v8 =	vld [tilespmem:s9+$0x9E30]  }
0x192: {  	v9 =	vadd.f32 v13, v9;
	v13 =	vld [tilespmem:s9+$0x4F20]  }
0x193: {  	v10 =	vadd.f32 v12, v10;
	v6 =	vadd.f32 v14, v6;
	v12 =	vld [tilespmem:s9+$0x4F30]  }
0x194: {  	v7 =	vadd.f32 v11, v7;
	v9 =	vadd.f32 v15, v9;
	v14 =	vld [tilespmem:s9+$0x76A0]  }
0x195: {  	s5 =	sshra.s32 s11, $0x2;
	v5 =	vmul.f32 v6, v5;
	v6 =	vadd.f32 v16, v10;
	v10 =	vld [tilespmem:s9+$0x76B0]  }
0x196: {  	v11 =	vld [tilespmem:s5+$0x7680];
	v3 =	vmul.f32 v9, v3;
	v7 =	vadd.f32 v8, v7  }
0x197: {  	v15 =	vld [tilespmem:s5+$0x7690];
	v4 =	vadd.f32 v5, v4;
	v6 =	vmul.f32 v6, v13  }
0x198: {  	v5 =	vld [tilespmem:s5+$0x4F00];
	v2 =	vadd.f32 v3, v2;
	v7 =	vmul.f32 v7, v12  }
0x199: {  	v3 =	vld [tilespmem:s5+$0x4F10];
	[tilespmem:s9+$0x9E00] =	vst v4;
	v9 =	vadd.f32 v6, v14  }
0x19a: {  	v6 =	vld [tilespmem:s5+$0xC580];
	[tilespmem:s9+$0x9E10] =	vst v2;
	v7 =	vadd.f32 v7, v10  }
0x19b: {  	v8 =	vld [tilespmem:s5+$0xED00];
	[tilespmem:s9+$0x9E20] =	vst v9;
	v4 =	vmov v11  }
0x19c: {  	v9 =	vld [tilespmem:s5+$0xC590];
	[tilespmem:s9+$0x9E30] =	vst v7;
	v2 =	vmov v15;
	s9 =	smov.u32 s5  }
0x19d: {  	v13 =	vld [tilespmem:s9+$0xED10]  }
.Ltmp5:
0x19e: {  	v10 =	vld [tilespmem:s9+$0xC5A0];
	(pc) =	sbr.rel @p2 .LBB2_13-.Ltmp5, $4  }
0x19f: {  	v12 =	vld [tilespmem:s9+$0xED20]  }
0x1a0: {  	v7 =	vld [tilespmem:s9+$0xC5B0]  }
0x1a1: {  	v11 =	vld [tilespmem:s9+$0xED30]  }
0x1a2: {  	s11 =	sadd.s32 $0x100, s11;
	v14 =	vld [tilespmem:s9+$0x9E00]  }
0x1a3: {  	v15 =	vld [tilespmem:s9+$0x9E10]  }
0x1a4: {  	v16 =	vld [tilespmem:s9+$0x9E20]  }
0x1a5: {  	v6 =	vadd.f32 v8, v6;
	v56 =	vld [tilespmem:s9+$0x9E30]  }
0x1a6: {  	v9 =	vadd.f32 v13, v9;
	v57 =	vld [tilespmem:s9+$0x4F20]  }
0x1a7: {  	v58 =	vld [tilespmem:s9+$0x4F30];
	v10 =	vadd.f32 v12, v10;
	v6 =	vadd.f32 v14, v6  }
0x1a8: {  	v59 =	vld [tilespmem:s9+$0x76A0];
	v7 =	vadd.f32 v11, v7;
	v9 =	vadd.f32 v15, v9  }
0x1a9: {  	v61 =	vld [tilespmem:s9+$0x76B0];
	v60 =	vadd.f32 v16, v10;
	v5 =	vmul.f32 v6, v5  }
0x1aa: {  	v7 =	vadd.f32 v56, v7;
	v3 =	vmul.f32 v9, v3  }
0x1ab: {  	v62 =	vmul.f32 v60, v57;
	v4 =	vadd.f32 v5, v4  }
0x1ac: {  	v2 =	vadd.f32 v3, v2;
	v3 =	vmul.f32 v7, v58  }
0x1ad: {  	v63 =	vadd.f32 v62, v59;
	[tilespmem:s9+$0x9E00] =	vst v4  }
0x1ae: {  	[tilespmem:s9+$0x9E10] =	vst v2;
	v2 =	vadd.f32 v3, v61  }
0x1af: {  	s7 =	sadd.s32 $0x1, s7;
	[tilespmem:s9+$0x9E20] =	vst v63  }
0x1b0: {  	p2 =	sne.s32 s7, $0xA;
	[tilespmem:s9+$0x9E30] =	vst v2  }
0x1b1: {  	[spmem:s12] =	stream.linear.scatter [tilespmem:s20], [sflag:$0x5], $0x2780, $0x38;
	[tilespmem:$0x1AC00] =	vst v63  }
.Ltmp6:
0x1b2: {  	_ =	swait.ge [sflag:s18], $0x2780;
	(pc) =	sbr.rel @p2 .LBB2_10-.Ltmp6, $3  }
0x1b3: {  	[sflag:s18] =	ssyncset.done $0x0  }
0x1b4: {  	[sflag:s18] =	ssyncadd.s32 $0xFFFFD880  }
0x1b5: {  	[bflag:$0x0] =	sbarrier.arrive $0xFFFF;
	_ =	sdelay $0x1  }
0x1b6: {  	s7 =	simm.s32 $0x0  }
0x1b7: {  	v2 =	vld [tilespmem:s7+$0x4F00];
	_ =	sdelay $0x4  }
0x1b8: {  	v2 =	vmul.f32 $1.111111160e+00, v2;
	_ =	sdelay $0x1  }
0x1b9: {  	vm0 =	vge.f32 v2, $2.000000000e+00  }
0x1ba: {  	v3 =	vsel vm0, $0x3F000000, v1;
	vm0 =	vge.f32 v2, $8.000000000e+00  }
0x1bb: {  	v3 =	vsel vm0, $0x3E800000, v3;
	vm0 =	vge.f32 v2, $3.200000000e+01  }
0x1bc: {  	v3 =	vsel vm0, $0x3E000000, v3;
	vm0 =	vge.f32 v2, $1.280000000e+02  }
0x1bd: {  	v3 =	vsel vm0, $0x3D800000, v3;
	vm0 =	vge.f32 v2, $5.120000000e+02  }
0x1be: {  	v3 =	vsel vm0, $0x3D000000, v3;
	vm0 =	vge.f32 v2, $2.048000000e+03  }
0x1bf: {  	v3 =	vsel vm0, $0x3C800000, v3;
	vm0 =	vge.f32 v2, $8.192000000e+03  }
0x1c0: {  	v3 =	vsel vm0, $0x3C000000, v3;
	vm0 =	vge.f32 v2, $3.276800000e+04  }
0x1c1: {  	v3 =	vsel vm0, $0x3B800000, v3;
	vm0 =	vge.f32 v2, $1.310720000e+05  }
0x1c2: {  	v3 =	vsel vm0, $0x3B000000, v3;
	vm0 =	vge.f32 v2, $5.242880000e+05  }
0x1c3: {  	v3 =	vsel vm0, $0x3A800000, v3;
	vm0 =	vle.f32 v2, $5.000000000e-01  }
0x1c4: {  	v3 =	vsel vm0, $0x40000000, v3;
	vm0 =	vle.f32 v2, $1.250000000e-01  }
0x1c5: {  	v3 =	vsel vm0, $0x40800000, v3;
	vm0 =	vle.f32 v2, $3.125000000e-02  }
0x1c6: {  	v3 =	vsel vm0, $0x41000000, v3;
	vm0 =	vle.f32 v2, $7.812500000e-03  }
0x1c7: {  	v3 =	vsel vm0, $0x41800000, v3;
	vm0 =	vle.f32 v2, $1.953125000e-03  }
0x1c8: {  	s9 =	simm.s32 $0x10;
	v3 =	vsel vm0, $0x42000000, v3;
	vm0 =	vle.f32 v2, $4.882812500e-04  }
0x1c9: {  	v4 =	vld [tilespmem:s9+$0x4F00];
	v3 =	vsel vm0, $0x42800000, v3;
	vm0 =	vle.f32 v2, $1.220703130e-04  }
0x1ca: {  	v3 =	vsel vm0, $0x43000000, v3;
	vm0 =	vle.f32 v2, $3.051757810e-05  }
0x1cb: {  	v3 =	vsel vm0, $0x43800000, v3;
	vm0 =	vle.f32 v2, $7.629394530e-06  }
0x1cc: {  	vm1 =	vle.f32 v2, $1.907348630e-06;
	v6 =	vmul.f32 $5.000000000e-01, v2;
	v3 =	vsel vm0, $0x44000000, v3  }
0x1cd: {  	v2 =	vsel vm1, $0x44800000, v3  }
0x1ce: {  	v3 =	vmul.f32 $1.111111160e+00, v4;
	v4 =	vmul.f32 v2, v6;
	_ =	sdelay $0x1  }
0x1cf: {  	vm0 =	vge.f32 v3, $2.000000000e+00;
	v4 =	vmul.f32 v4, v2  }
0x1d0: {  	v5 =	vsel vm0, $0x3F000000, v1;
	vm0 =	vge.f32 v3, $8.000000000e+00  }
0x1d1: {  	v5 =	vsel vm0, $0x3E800000, v5;
	vm0 =	vge.f32 v3, $3.200000000e+01;
	v4 =	vsub.f32 $1.500000000e+00, v4  }
0x1d2: {  	v5 =	vsel vm0, $0x3E000000, v5;
	vm0 =	vge.f32 v3, $1.280000000e+02  }
0x1d3: {  	v5 =	vsel vm0, $0x3D800000, v5;
	vm0 =	vge.f32 v3, $5.120000000e+02;
	v2 =	vmul.f32 v4, v2  }
0x1d4: {  	v4 =	vsel vm0, $0x3D000000, v5;
	vm0 =	vge.f32 v3, $2.048000000e+03  }
0x1d5: {  	v4 =	vsel vm0, $0x3C800000, v4;
	vm0 =	vge.f32 v3, $8.192000000e+03;
	v5 =	vmul.f32 v2, v6  }
0x1d6: {  	v4 =	vsel vm0, $0x3C000000, v4;
	vm0 =	vge.f32 v3, $3.276800000e+04  }
0x1d7: {  	v4 =	vsel vm0, $0x3B800000, v4;
	vm0 =	vge.f32 v3, $1.310720000e+05;
	v5 =	vmul.f32 v5, v2  }
0x1d8: {  	v4 =	vsel vm0, $0x3B000000, v4;
	vm0 =	vge.f32 v3, $5.242880000e+05  }
0x1d9: {  	v4 =	vsel vm0, $0x3A800000, v4;
	vm0 =	vle.f32 v3, $5.000000000e-01;
	v5 =	vsub.f32 $1.500000000e+00, v5  }
0x1da: {  	v4 =	vsel vm0, $0x40000000, v4;
	vm0 =	vle.f32 v3, $1.250000000e-01  }
0x1db: {  	v4 =	vsel vm0, $0x40800000, v4;
	vm0 =	vle.f32 v3, $3.125000000e-02;
	v5 =	vmul.f32 v5, v2  }
0x1dc: {  	v2 =	vsel vm0, $0x41000000, v4;
	vm0 =	vle.f32 v3, $7.812500000e-03  }
0x1dd: {  	v2 =	vsel vm0, $0x41800000, v2;
	vm0 =	vle.f32 v3, $1.953125000e-03;
	v4 =	vmul.f32 v5, v6  }
0x1de: {  	s11 =	simm.s32 $0x20;
	v2 =	vsel vm0, $0x42000000, v2;
	vm0 =	vle.f32 v3, $4.882812500e-04  }
0x1df: {  	v7 =	vld [tilespmem:s11+$0x4F00];
	v2 =	vsel vm0, $0x42800000, v2;
	vm0 =	vle.f32 v3, $1.220703130e-04;
	v4 =	vmul.f32 v4, v5  }
0x1e0: {  	v2 =	vsel vm0, $0x43000000, v2;
	vm0 =	vle.f32 v3, $3.051757810e-05  }
0x1e1: {  	v2 =	vsel vm0, $0x43800000, v2;
	vm0 =	vle.f32 v3, $7.629394530e-06;
	v4 =	vsub.f32 $1.500000000e+00, v4  }
0x1e2: {  	vm1 =	vle.f32 v3, $1.907348630e-06;
	v8 =	vsel vm0, $0x44000000, v2;
	v2 =	vmul.f32 $5.000000000e-01, v3  }
0x1e3: {  	v8 =	vsel vm1, $0x44800000, v8;
	v4 =	vmul.f32 v4, v5  }
0x1e4: {  	v3 =	vmul.f32 $1.111111160e+00, v7;
	v5 =	vmul.f32 v8, v2  }
0x1e5: {  	v7 =	vmul.f32 v4, v6  }
0x1e6: {  	vm0 =	vle.f32 v3, $1.907348630e-06;
	vm1 =	vge.f32 v3, $2.000000000e+00;
	v5 =	vmul.f32 v5, v8  }
0x1e7: {  	v9 =	vsel vm1, $0x3F000000, v1;
	vm1 =	vge.f32 v3, $8.000000000e+00;
	v7 =	vmul.f32 v7, v4  }
0x1e8: {  	v9 =	vsel vm1, $0x3E800000, v9;
	vm1 =	vge.f32 v3, $3.200000000e+01;
	v5 =	vsub.f32 $1.500000000e+00, v5  }
0x1e9: {  	v9 =	vsel vm1, $0x3E000000, v9;
	vm1 =	vge.f32 v3, $1.280000000e+02;
	v7 =	vsub.f32 $1.500000000e+00, v7  }
0x1ea: {  	v9 =	vsel vm1, $0x3D800000, v9;
	vm1 =	vge.f32 v3, $5.120000000e+02;
	v5 =	vmul.f32 v5, v8  }
0x1eb: {  	v8 =	vsel vm1, $0x3D000000, v9;
	vm1 =	vge.f32 v3, $2.048000000e+03;
	v4 =	vmul.f32 v7, v4  }
0x1ec: {  	v7 =	vsel vm1, $0x3C800000, v8;
	vm1 =	vge.f32 v3, $8.192000000e+03;
	v8 =	vmul.f32 v5, v2  }
0x1ed: {  	v7 =	vsel vm1, $0x3C000000, v7;
	vm1 =	vge.f32 v3, $3.276800000e+04;
	v9 =	vmul.f32 v4, v6  }
0x1ee: {  	v7 =	vsel vm1, $0x3B800000, v7;
	vm1 =	vge.f32 v3, $1.310720000e+05;
	v8 =	vmul.f32 v8, v5  }
0x1ef: {  	v7 =	vsel vm1, $0x3B000000, v7;
	vm1 =	vge.f32 v3, $5.242880000e+05;
	v9 =	vmul.f32 v9, v4  }
0x1f0: {  	v7 =	vsel vm1, $0x3A800000, v7;
	vm1 =	vle.f32 v3, $5.000000000e-01;
	v8 =	vsub.f32 $1.500000000e+00, v8  }
0x1f1: {  	v7 =	vsel vm1, $0x40000000, v7;
	vm1 =	vle.f32 v3, $1.250000000e-01;
	v9 =	vsub.f32 $1.500000000e+00, v9  }
0x1f2: {  	v7 =	vsel vm1, $0x40800000, v7;
	vm1 =	vle.f32 v3, $3.125000000e-02;
	v5 =	vmul.f32 v8, v5  }
0x1f3: {  	v7 =	vsel vm1, $0x41000000, v7;
	vm1 =	vle.f32 v3, $7.812500000e-03;
	v4 =	vmul.f32 v9, v4  }
0x1f4: {  	s15 =	simm.s32 $0x30;
	v9 =	vsel vm1, $0x41800000, v7;
	vm1 =	vle.f32 v3, $1.953125000e-03;
	v7 =	vmul.f32 v5, v2  }
0x1f5: {  	s16 =	simm.s32 $0x100;
	v8 =	vld [tilespmem:s15+$0x4F00];
	v9 =	vsel vm1, $0x42000000, v9;
	vm1 =	vle.f32 v3, $4.882812500e-04;
	v6 =	vmul.f32 v4, v6  }
.LBB2_16:
0x1f6: {  	p2 =	sne.s32 s16, $0x9DC0;
	v9 =	vsel vm1, $0x42800000, v9;
	vm1 =	vle.f32 v3, $1.220703130e-04;
	v7 =	vmul.f32 v7, v5  }
0x1f7: {  	v9 =	vsel vm1, $0x43000000, v9;
	vm1 =	vle.f32 v3, $3.051757810e-05;
	v6 =	vmul.f32 v6, v4  }
0x1f8: {  	v9 =	vsel vm1, $0x43800000, v9;
	vm1 =	vle.f32 v3, $7.629394530e-06;
	v7 =	vsub.f32 $1.500000000e+00, v7;
	v10 =	vld [tilespmem:s7+$0x9E00]  }
0x1f9: {  	v11 =	vmul.f32 $5.000000000e-01, v3;
	v9 =	vsel vm1, $0x44000000, v9;
	v6 =	vsub.f32 $1.500000000e+00, v6  }
0x1fa: {  	v3 =	vmul.f32 $1.111111160e+00, v8;
	v8 =	vsel vm0, $0x44800000, v9;
	v5 =	vmul.f32 v7, v5  }
0x1fb: {  	v7 =	vmul.f32 v8, v11;
	v4 =	vmul.f32 v6, v4  }
0x1fc: {  	vm0 =	vle.f32 v3, $1.907348630e-06;
	v6 =	vmul.f32 v5, v2  }
0x1fd: {  	vm1 =	vge.f32 v3, $2.000000000e+00;
	v7 =	vmul.f32 v7, v8;
	v4 =	vmul.f32 v4, v10  }
0x1fe: {  	v9 =	vsel vm1, $0x3F000000, v1;
	vm1 =	vge.f32 v3, $8.000000000e+00;
	v6 =	vmul.f32 v6, v5  }
0x1ff: {  	v9 =	vsel vm1, $0x3E800000, v9;
	vm1 =	vge.f32 v3, $3.200000000e+01;
	v7 =	vsub.f32 $1.500000000e+00, v7;
	[tilespmem:s7+$0xC580] =	vst v4;
	s7 =	smov.u32 s9;
	s9 =	smov.u32 s11;
	s11 =	smov.u32 s15  }
0x200: {  	v4 =	vsel vm1, $0x3E000000, v9;
	vm1 =	vge.f32 v3, $1.280000000e+02;
	v6 =	vsub.f32 $1.500000000e+00, v6  }
0x201: {  	v4 =	vsel vm1, $0x3D800000, v4;
	vm1 =	vge.f32 v3, $5.120000000e+02;
	v7 =	vmul.f32 v7, v8  }
0x202: {  	v4 =	vsel vm1, $0x3D000000, v4;
	vm1 =	vge.f32 v3, $2.048000000e+03;
	v6 =	vmul.f32 v6, v5  }
0x203: {  	v4 =	vsel vm1, $0x3C800000, v4;
	vm1 =	vge.f32 v3, $8.192000000e+03;
	v5 =	vmul.f32 v7, v11  }
0x204: {  	v4 =	vsel vm1, $0x3C000000, v4;
	vm1 =	vge.f32 v3, $3.276800000e+04;
	v8 =	vmul.f32 v6, v2  }
0x205: {  	v4 =	vsel vm1, $0x3B800000, v4;
	vm1 =	vge.f32 v3, $1.310720000e+05;
	v5 =	vmul.f32 v5, v7  }
0x206: {  	v4 =	vsel vm1, $0x3B000000, v4;
	vm1 =	vge.f32 v3, $5.242880000e+05;
	v8 =	vmul.f32 v8, v6  }
0x207: {  	v4 =	vsel vm1, $0x3A800000, v4;
	vm1 =	vle.f32 v3, $5.000000000e-01;
	v5 =	vsub.f32 $1.500000000e+00, v5  }
.Ltmp7:
0x208: {  	v4 =	vsel vm1, $0x40000000, v4;
	vm1 =	vle.f32 v3, $1.250000000e-01;
	v8 =	vsub.f32 $1.500000000e+00, v8;
	(pc) =	sbr.rel @p2 .LBB2_16-.Ltmp7, $4  }
0x209: {  	v4 =	vsel vm1, $0x40800000, v4;
	vm1 =	vle.f32 v3, $3.125000000e-02;
	v5 =	vmul.f32 v5, v7  }
0x20a: {  	v7 =	vsel vm1, $0x41000000, v4;
	vm1 =	vle.f32 v3, $7.812500000e-03;
	v4 =	vmul.f32 v8, v6  }
0x20b: {  	s15 =	sshra.s32 s16, $0x2;
	v6 =	vsel vm1, $0x41800000, v7;
	vm1 =	vle.f32 v3, $1.953125000e-03;
	v7 =	vmul.f32 v5, v11  }
0x20c: {  	s16 =	sadd.s32 $0x40, s16;
	v9 =	vsel vm1, $0x42000000, v6;
	vm1 =	vle.f32 v3, $4.882812500e-04;
	v8 =	vld [tilespmem:s15+$0x4F00];
	v6 =	vmul.f32 v4, v2;
	v2 =	vmovc v11  }
0x20d: {  	_ =	sdelay $0x3  }
0x20e: {  	v8 =	vmul.f32 $1.111111160e+00, v8;
	_ =	sdelay $0x1  }
0x20f: {  	vm2 =	vge.f32 v8, $2.000000000e+00  }
0x210: {  	vm6 =	vge.f32 v8, $8.000000000e+00;
	v10 =	vsel vm2, $0x3F000000, v1  }
0x211: {  	vm7 =	vge.f32 v8, $3.200000000e+01;
	v10 =	vsel vm6, $0x3E800000, v10  }
0x212: {  	v9 =	vsel vm1, $0x42800000, v9;
	vm8 =	vge.f32 v8, $1.280000000e+02;
	v10 =	vsel vm7, $0x3E000000, v10  }
0x213: {  	vm10 =	vle.f32 v3, $1.220703130e-04;
	vm9 =	vge.f32 v8, $5.120000000e+02;
	v10 =	vsel vm8, $0x3D800000, v10  }
0x214: {  	vm13 =	vle.f32 v3, $3.051757810e-05;
	vm11 =	vge.f32 v8, $2.048000000e+03;
	v10 =	vsel vm9, $0x3D000000, v10  }
0x215: {  	vm4 =	vle.f32 v3, $7.629394530e-06;
	vm12 =	vge.f32 v8, $8.192000000e+03;
	v10 =	vsel vm11, $0x3C800000, v10  }
0x216: {  	v3 =	vmul.f32 $5.000000000e-01, v3;
	vm14 =	vge.f32 v8, $3.276800000e+04;
	v10 =	vsel vm12, $0x3C000000, v10  }
0x217: {  	v9 =	vsel vm10, $0x43000000, v9;
	vm15 =	vge.f32 v8, $1.310720000e+05;
	v10 =	vsel vm14, $0x3B800000, v10  }
0x218: {  	v9 =	vsel vm13, $0x43800000, v9;
	vm5 =	vge.f32 v8, $5.242880000e+05;
	v10 =	vsel vm15, $0x3B000000, v10  }
0x219: {  	v9 =	vsel vm4, $0x44000000, v9;
	vm6 =	vle.f32 v8, $5.000000000e-01;
	v10 =	vsel vm5, $0x3A800000, v10  }
0x21a: {  	v9 =	vsel vm0, $0x44800000, v9;
	vm7 =	vle.f32 v8, $1.250000000e-01;
	v10 =	vsel vm6, $0x40000000, v10  }
0x21b: {  	v11 =	vmul.f32 v9, v3;
	vm8 =	vle.f32 v8, $3.125000000e-02;
	v10 =	vsel vm7, $0x40800000, v10  }
0x21c: {  	vm9 =	vle.f32 v8, $7.812500000e-03;
	v10 =	vsel vm8, $0x41000000, v10  }
0x21d: {  	vm10 =	vle.f32 v8, $1.953125000e-03;
	v11 =	vmul.f32 v11, v9;
	v10 =	vsel vm9, $0x41800000, v10  }
0x21e: {  	vm11 =	vle.f32 v8, $4.882812500e-04;
	v10 =	vsel vm10, $0x42000000, v10  }
0x21f: {  	v11 =	vsub.f32 $1.500000000e+00, v11;
	vm12 =	vle.f32 v8, $1.220703130e-04;
	v10 =	vsel vm11, $0x42800000, v10  }
0x220: {  	vm13 =	vle.f32 v8, $3.051757810e-05;
	v10 =	vsel vm12, $0x43000000, v10  }
0x221: {  	v9 =	vmul.f32 v11, v9;
	vm15 =	vle.f32 v8, $7.629394530e-06;
	v10 =	vsel vm13, $0x43800000, v10  }
0x222: {  	vm14 =	vle.f32 v8, $1.907348630e-06;
	v8 =	vmul.f32 $5.000000000e-01, v8;
	v10 =	vsel vm15, $0x44000000, v10  }
0x223: {  	v10 =	vsel vm14, $0x44800000, v10  }
0x224: {  	v11 =	vmul.f32 v9, v3;
	v12 =	vmul.f32 v10, v8  }
0x225: {  	v7 =	vmul.f32 v7, v5  }
0x226: {  	v11 =	vmul.f32 v11, v9;
	v12 =	vmul.f32 v12, v10  }
0x227: {  	v7 =	vsub.f32 $1.500000000e+00, v7  }
0x228: {  	v11 =	vsub.f32 $1.500000000e+00, v11;
	v12 =	vsub.f32 $1.500000000e+00, v12  }
0x229: {  	v49 =	vmul.f32 v7, v5  }
0x22a: {  	v50 =	vmul.f32 v11, v9;
	v51 =	vmul.f32 v12, v10  }
0x22b: {  	v52 =	vmul.f32 v49, v2  }
0x22c: {  	v11 =	vmul.f32 v50, v3;
	v12 =	vmul.f32 v51, v8  }
0x22d: {  	v10 =	vmul.f32 v52, v49  }
0x22e: {  	v11 =	vmul.f32 v11, v50;
	v12 =	vmul.f32 v12, v51  }
0x22f: {  	v10 =	vsub.f32 $1.500000000e+00, v10  }
0x230: {  	v11 =	vsub.f32 $1.500000000e+00, v11;
	v12 =	vsub.f32 $1.500000000e+00, v12  }
0x231: {  	v5 =	vmul.f32 v10, v49  }
0x232: {  	v7 =	vmul.f32 v11, v50;
	v9 =	vmul.f32 v12, v51  }
0x233: {  	v10 =	vmul.f32 v5, v2  }
0x234: {  	v11 =	vmul.f32 v7, v3;
	v12 =	vmul.f32 v9, v8  }
0x235: {  	v6 =	vmul.f32 v6, v4;
	v10 =	vmul.f32 v10, v5  }
0x236: {  	v13 =	vld [tilespmem:s7+$0x9E00];
	v11 =	vmul.f32 v11, v7;
	v12 =	vmul.f32 v12, v9  }
0x237: {  	v6 =	vsub.f32 $1.500000000e+00, v6;
	v10 =	vsub.f32 $1.500000000e+00, v10  }
0x238: {  	v11 =	vsub.f32 $1.500000000e+00, v11;
	v12 =	vsub.f32 $1.500000000e+00, v12  }
0x239: {  	v53 =	vmul.f32 v6, v4;
	v5 =	vmul.f32 v10, v5  }
0x23a: {  	v54 =	vmul.f32 v11, v7;
	v55 =	vmul.f32 v12, v9  }
0x23b: {  	v4 =	vmul.f32 v53, v13;
	v2 =	vmul.f32 v5, v2  }
0x23c: {  	v56 =	vmul.f32 v54, v3;
	v57 =	vmul.f32 v55, v8  }
0x23d: {  	[tilespmem:s7+$0xC580] =	vst v4;
	v2 =	vmul.f32 v2, v5  }
0x23e: {  	v4 =	vld [tilespmem:s9+$0x9E00];
	v9 =	vmul.f32 v56, v54;
	v10 =	vmul.f32 v57, v55  }
0x23f: {  	v2 =	vsub.f32 $1.500000000e+00, v2  }
0x240: {  	v9 =	vsub.f32 $1.500000000e+00, v9;
	v10 =	vsub.f32 $1.500000000e+00, v10  }
0x241: {  	v2 =	vmul.f32 v2, v5  }
0x242: {  	v58 =	vmul.f32 v9, v54;
	v59 =	vmul.f32 v10, v55  }
0x243: {  	v2 =	vmul.f32 v2, v4  }
0x244: {  	v3 =	vmul.f32 v58, v3;
	v60 =	vmul.f32 v59, v8;
	_ =	sdelay $0x1  }
0x245: {  	[tilespmem:s9+$0xC580] =	vst v2;
	v2 =	vmul.f32 v3, v58;
	v3 =	vmul.f32 v60, v59  }
0x246: {  	v61 =	vld [tilespmem:s11+$0x9E00]  }
0x247: {  	v2 =	vsub.f32 $1.500000000e+00, v2;
	v3 =	vsub.f32 $1.500000000e+00, v3;
	_ =	sdelay $0x1  }
0x248: {  	v2 =	vmul.f32 v2, v58;
	v3 =	vmul.f32 v3, v59;
	_ =	sdelay $0x1  }
0x249: {  	v2 =	vmul.f32 v2, v61;
	v62 =	vmul.f32 v3, v8;
	_ =	sdelay $0x1  }
0x24a: {  	[tilespmem:s11+$0xC580] =	vst v2;
	v2 =	vmul.f32 v62, v3  }
0x24b: {  	v63 =	vld [tilespmem:s15+$0x9E00]  }
0x24c: {  	v2 =	vsub.f32 $1.500000000e+00, v2;
	_ =	sdelay $0x1  }
0x24d: {  	v2 =	vmul.f32 v2, v3;
	_ =	sdelay $0x1  }
0x24e: {  	v2 =	vmul.f32 v2, v63;
	_ =	sdelay $0x1  }
0x24f: {  	s5 =	simm.s32 @!p1 $0x0;
	s7 =	simm.s32 @!p1 $0xC580;
	s9 =	rddreg [dreg:$0xa];
	[tilespmem:s15+$0xC580] =	vst v2  }
0x250: {  	[hbm4b:s9+s5] =	stream.linear.scatter @!p1 [tilespmem:s7], [sflag:$0x5], $0x2780, $0x38;
	[tilespmem:$0x1AC00] =	vst v63  }
0x251: {  	s5 =	simm.s32 @!p1 $0x5  }
0x252: {  	_ =	swait.ge @!p1 [sflag:s5], $0x2780  }
0x253: {  	s19 =	rddreg [dreg:$0xd]  }
0x254: {  	s24 =	rddreg [dreg:$0xb];
	s9 =	sadd.s32 $0x1, s19  }
0x255: {  	p2 =	sne.s32 s9, s24  }
.Ltmp8:
0x256: {  	_ = 	snop;
	(pc) =	sbr.rel @p2 .LBB2_1-.Ltmp8, $3  }
0x257: {  	_ =	sdelay $0x1  }
0x258: {  	[sflag:s5] =	ssyncset.done @!p1 $0x0  }
0x259: {  	[sflag:s5] =	ssyncadd.s32 @!p1 $0xFFFFD880  }
0x25a: {  	_ =	sfence.sel $0x180000  }
0x25b: {  	[bflag:$0x0] =	sbarrier.arrive $0xFFFF  }
0x25c: {  	_ =	strace $0x90000047  }
0x25d: {  	[bflag:$0x2] =	sbarrier.arrive $0xFFFF  }
0x25e: {  	s0 =	rddreg [dreg:$0x4]  }
0x25f: {  	s0 =	sadd.s32 @!p0 $0x100000, s0  }
0x260: {  	[sflag:s0] =	ssyncadd.tile.s32 @!p0 $0x1;
	_ =	shalt  }
.Lfunc_end2:
_tile_overlayer_lowered:
.L_overlay_start_2:
0x261: {  	(tag) =	ssettag $0x2  }
0x262: {  	s0 =	rddreg [dreg:$0x0];
	s2 =	stileid.u32  }
0x263: {  	s1 =	rddreg [dreg:$0x1];
	p0 =	sne.s32 s2, $0x0  }
0x264: {  	s3 =	rddreg [dreg:$0x2];
	[bflag:$0x3] =	sbarrier.arrive $0xFFFF;
	s2 =	simm.s32 @!p0 $0x1C05  }
0x265: {  	[timem:s3], [sflag:s2] =	dma.local @!p0 [hbm:s0], s1  }
0x266: {  	s0 =	simm.s32 @!p0 $0x5  }
0x267: {  	_ =	swait.ge @!p0 [sflag:s0], s1  }
0x268: {  	s1 =	ssub.s32 @!p0 $0x0, s1;
	[sflag:s0] =	ssyncset.done @!p0 $0x0  }
0x269: {  	[sflag:s0] =	ssyncadd.s32 @!p0 s1  }
0x26a: {  	[bflag:$0x3] =	sbarrier.arrive $0xFFFF  }
0x26b: {  	_ =	shalt  }

</sc_bundles>
